<compile_context>
chip_gen: v7x
topology: tpu7x:2x2x1
jax: 0.10.2.dev20260603
libtpu: 0.0.44.dev20260713+nightly
codegen_flags: <defaults>
</compile_context>

<pallas_src>
import functools

import jax
import jax.numpy as jnp
from jax import lax
from jax.experimental import pallas as pl
from jax.experimental.pallas import tpu as pltpu
from jax.experimental.pallas import tpu_sc as plsc

N_VOX = 100000
M = 20000
P = 16
TW = 128
NWORK = 32
SLAB = 8192
DENSE_ROWS = NWORK * SLAB
NPIX = 2 * 360 * 360
PAD_PER_W = 64
POOLED_ROWS = M + NWORK * PAD_PER_W
PFN_GRID = 23

VSX = 150.4 / 1440.0
VSZ = 6.0 / 40.0
VNX = 150.4 / 360.0
PMIN = -75.2
PMINZ = -2.0


def _table_kernel(vf_ref, zyx_ref, t_ref):
    vf = vf_ref[...]
    z = (zyx_ref[:, 0:1] % 40).astype(jnp.float32)
    y = zyx_ref[:, 1:2].astype(jnp.float32)
    x = zyx_ref[:, 2:3].astype(jnp.float32)
    cx = (x + 0.5) * VSX + PMIN
    cy = (y + 0.5) * VSX + PMIN
    cz = (z + 0.5) * VSZ + PMINZ
    pad = jnp.zeros((vf.shape[0], TW - 67), jnp.float32)
    t_ref[...] = jnp.concatenate([vf, cx, cy, cz, pad], axis=1)


def _build_table(voxel_features, sp_zyx):
    blk = 4000
    grid = N_VOX // blk
    return pl.pallas_call(
        _table_kernel,
        grid=(grid,),
        in_specs=[
            pl.BlockSpec((blk, 64), lambda i: (i, 0)),
            pl.BlockSpec((blk, 3), lambda i: (i, 0)),
        ],
        out_specs=pl.BlockSpec((blk, TW), lambda i: (i, 0)),
        out_shape=jax.ShapeDtypeStruct((N_VOX, TW), jnp.float32),
    )(voxel_features, sp_zyx)


def _make_gather():
    rows_per_w = (M * P) // NWORK
    chunk = 400
    npair = rows_per_w // (2 * chunk)
    mesh = plsc.VectorSubcoreMesh(core_axis_name="c", subcore_axis_name="s")

    @functools.partial(
        pl.kernel, mesh=mesh,
        out_type=jax.ShapeDtypeStruct((M * P, TW), jnp.float32),
        scratch_types=[
            pltpu.VMEM((rows_per_w,), jnp.int32),
            pltpu.VMEM((chunk, TW), jnp.float32),
            pltpu.VMEM((chunk, TW), jnp.float32),
            pltpu.SemaphoreType.DMA,
            pltpu.SemaphoreType.DMA,
            pltpu.SemaphoreType.DMA,
            pltpu.SemaphoreType.DMA,
        ],
    )
    def k(table_hbm, idx_hbm, out_hbm, idx_v, buf0, buf1, g0, g1, w0, w1):
        wid = lax.axis_index("s") * 2 + lax.axis_index("c")
        base = wid * rows_per_w
        pltpu.sync_copy(idx_hbm.at[pl.ds(base, rows_per_w)], idx_v)

        def body(i, _):
            c0 = base + 2 * i * chunk
            c1 = c0 + chunk
            h0 = pltpu.async_copy(
                table_hbm.at[idx_v.at[pl.ds(2 * i * chunk, chunk)]], buf0, g0)
            h1 = pltpu.async_copy(
                table_hbm.at[idx_v.at[pl.ds((2 * i + 1) * chunk, chunk)]],
                buf1, g1)
            h0.wait()
            o0 = pltpu.async_copy(buf0, out_hbm.at[pl.ds(c0, chunk)], w0)
            h1.wait()
            o1 = pltpu.async_copy(buf1, out_hbm.at[pl.ds(c1, chunk)], w1)
            o0.wait()
            o1.wait()
            return _

        lax.fori_loop(0, npair, body, 0)
        rem = rows_per_w - npair * 2 * chunk
        if rem:
            pltpu.async_copy(
                table_hbm.at[idx_v.at[pl.ds(npair * 2 * chunk, rem)]],
                buf0.at[pl.ds(0, rem)], g0).wait()
            pltpu.sync_copy(buf0.at[pl.ds(0, rem)],
                            out_hbm.at[pl.ds(base + npair * 2 * chunk, rem)])

    return k


def _pfn_kernel(g_ref, yx_ref, nb_ref, ny_ref, nx_ref,
                w1_ref, w1b_ref, b1_ref, w2a_ref, w2b_ref, b2_ref,
                pooled_ref, keys_ref):
    pid = pl.program_id(0)
    q = g_ref.shape[1]

    b_row = nb_ref[0]
    y_row = ny_ref[0]
    x_row = nx_ref[0]
    keys_ref[0] = (b_row * 360 + y_row) * 360 + x_row

    @pl.when(pid < 20)
    def _compute():
        qx = (yx_ref[:, 1:2].astype(jnp.float32) + 0.5) * VNX + PMIN
        qy = (yx_ref[:, 0:1].astype(jnp.float32) + 0.5) * VNX + PMIN
        ccomb = (qx * w1b_ref[0:1, :] + qy * w1b_ref[1:2, :]
                 + ((0.5 * 6.0 + PMINZ) * w1b_ref[2:3, :] - b1_ref[0:1, :]))
        gblk = g_ref[...].reshape(P * q, TW)
        h = jnp.dot(gblk, w1_ref[...], preferred_element_type=jnp.float32)
        h3 = h.reshape(P, q, 33) - ccomb[None, :, :]
        h3 = jnp.maximum(h3, 0.0)
        hmax = jnp.max(h3, axis=0)
        h2 = jnp.dot(h3.reshape(P * q, 33), w2a_ref[...],
                     preferred_element_type=jnp.float32)
        hb = jnp.dot(hmax, w2b_ref[...],
                     preferred_element_type=jnp.float32) + b2_ref[0:1, :]
        h23 = jnp.maximum(h2.reshape(P, q, 128) + hb[None, :, :], 0.0)
        pooled_ref[...] = jnp.max(h23, axis=0)

    @pl.when(pid >= 20)
    def _pad():
        pooled_ref[...] = jnp.zeros_like(pooled_ref)


def _run_pfn(g3, new_yx, nb_r, ny_r, nx_r, w1pad, w1b, b1r, w2a, w2b, b2r):
    q = 1000
    grid = PFN_GRID
    cap19 = lambda i: jnp.minimum(i, 19)
    return pl.pallas_call(
        _pfn_kernel,
        grid=(grid,),
        in_specs=[
            pl.BlockSpec((P, q, TW), lambda i: (0, jnp.minimum(i, 19), 0)),
            pl.BlockSpec((q, 2), lambda i: (jnp.minimum(i, 19), 0)),
            pl.BlockSpec((1, 1, q), lambda i: (jnp.minimum(i, 22), 0, 0)),
            pl.BlockSpec((1, 1, q), lambda i: (jnp.minimum(i, 22), 0, 0)),
            pl.BlockSpec((1, 1, q), lambda i: (jnp.minimum(i, 22), 0, 0)),
            pl.BlockSpec((TW, 33), lambda i: (0, 0)),
            pl.BlockSpec((3, 33), lambda i: (0, 0)),
            pl.BlockSpec((1, 33), lambda i: (0, 0)),
            pl.BlockSpec((33, 128), lambda i: (0, 0)),
            pl.BlockSpec((33, 128), lambda i: (0, 0)),
            pl.BlockSpec((1, 128), lambda i: (0, 0)),
        ],
        out_specs=[
            pl.BlockSpec((q, 128), lambda i: (i, 0)),
            pl.BlockSpec((1, 1, q), lambda i: (i, 0, 0)),
        ],
        out_shape=[
            jax.ShapeDtypeStruct((POOLED_ROWS, 128), jnp.float32),
            jax.ShapeDtypeStruct((PFN_GRID, 1, q), jnp.int32),
        ],
    )(g3, new_yx, nb_r, ny_r, nx_r, w1pad, w1b, b1r, w2a, w2b, b2r)


def _make_densify():
    chunk = 256
    npair = SLAB // (2 * chunk)
    nkc = M // 16
    mesh = plsc.VectorSubcoreMesh(core_axis_name="c", subcore_axis_name="s")

    @functools.partial(
        pl.kernel, mesh=mesh,
        out_type=jax.ShapeDtypeStruct((DENSE_ROWS, 128), jnp.float32),
        scratch_types=[
            pltpu.VMEM((M,), jnp.int32),
            pltpu.VMEM((SLAB,), jnp.int32),
            pltpu.VMEM((chunk, 128), jnp.float32),
            pltpu.VMEM((chunk, 128), jnp.float32),
            pltpu.SemaphoreType.DMA,
            pltpu.SemaphoreType.DMA,
            pltpu.SemaphoreType.DMA,
            pltpu.SemaphoreType.DMA,
        ],
    )
    def k(keys_hbm, pooled_hbm, dense_hbm, keys_v, owner_v, buf0, buf1,
          g0, g1, w0, w1):
        wid = lax.axis_index("s") * 2 + lax.axis_index("c")
        base = wid * SLAB
        lane = lax.iota(jnp.int32, 16)

        pltpu.sync_copy(keys_hbm, keys_v)

        def initb(i, _):
            owner_v[pl.ds(i * 16, 16)] = (
                M + wid * PAD_PER_W + ((lane + i * 16) & (PAD_PER_W - 1)))
            return _

        lax.fori_loop(0, SLAB // 16, initb, 0)

        def scan(c, _):
            kk = keys_v[pl.ds(c * 16, 16)]
            loc = kk - base
            for j in range(16):
                loc_j = loc[j]

                @pl.when((loc_j >= 0) & (loc_j < SLAB))
                def _upd():
                    off = loc_j & ~15
                    cur = owner_v[pl.ds(off, 16)]
                    owner_v[pl.ds(off, 16)] = jnp.where(
                        lane == (loc_j & 15), c * 16 + j, cur)

            return _

        lax.fori_loop(0, nkc, scan, 0)

        def emit(i, _):
            c0 = 2 * i * chunk
            c1 = c0 + chunk
            h0 = pltpu.async_copy(
                pooled_hbm.at[owner_v.at[pl.ds(c0, chunk)]], buf0, g0)
            h1 = pltpu.async_copy(
                pooled_hbm.at[owner_v.at[pl.ds(c1, chunk)]], buf1, g1)
            h0.wait()
            o0 = pltpu.async_copy(
                buf0, dense_hbm.at[pl.ds(base + c0, chunk)], w0)
            h1.wait()
            o1 = pltpu.async_copy(
                buf1, dense_hbm.at[pl.ds(base + c1, chunk)], w1)
            o0.wait()
            o1.wait()
            return _

        lax.fori_loop(0, npair, emit, 0)

    return k


def _tr_kernel(in_ref, out_ref):
    for r in range(8):
        out_ref[0, :, r, :] = in_ref[pl.ds(r * 360, 360), :].T


def _run_transpose(dense):
    rows = 2880
    return pl.pallas_call(
        _tr_kernel,
        grid=(2, 45),
        in_specs=[pl.BlockSpec((rows, 128), lambda b, g: (b * 45 + g, 0))],
        out_specs=pl.BlockSpec((1, 128, 8, 360), lambda b, g: (b, 0, g, 0)),
        out_shape=jax.ShapeDtypeStruct((2, 128, 360, 360), jnp.float32),
    )(dense)


def kernel(voxel_features, sp_zyx, key_indices, new_b, new_yx, bev,
           W1, g1, b1, W2, g2, b2):
    del bev
    w1f = W1 * g1[None, :]
    w2f = W2 * g2[None, :]
    w1pad = jnp.zeros((TW, 33), jnp.float32).at[:67, :].set(w1f)
    w1b = w1f[64:67, :]
    w2a = w2f[:33, :]
    w2b = w2f[33:, :]
    b1r = b1.reshape(1, 33)
    b2r = b2.reshape(1, 128)

    sp_zyx = sp_zyx.astype(jnp.int32)
    key_indices = key_indices.astype(jnp.int32)
    new_b = new_b.astype(jnp.int32)
    new_yx = new_yx.astype(jnp.int32)

    padq = PFN_GRID * 1000 - M
    nb_p = jnp.concatenate([new_b, jnp.full((padq,), 600, jnp.int32)])
    ny_p = jnp.concatenate([new_yx[:, 0], jnp.zeros((padq,), jnp.int32)])
    nx_p = jnp.concatenate([new_yx[:, 1], jnp.zeros((padq,), jnp.int32)])
    nb_r = nb_p.reshape(PFN_GRID, 1, 1000)
    ny_r = ny_p.reshape(PFN_GRID, 1, 1000)
    nx_r = nx_p.reshape(PFN_GRID, 1, 1000)

    table = _build_table(voxel_features, sp_zyx)
    kit = key_indices.T.reshape(M * P)
    g = _make_gather()(table, kit)
    g3 = g.reshape(P, M, TW)
    pooled, keys_r = _run_pfn(g3, new_yx, nb_r, ny_r, nx_r,
                              w1pad, w1b, b1r, w2a, w2b, b2r)
    keys = keys_r[:20].reshape(M)
    dense = _make_densify()(keys, pooled)
    return _run_transpose(dense)

# --- scband reference (transcript-rebuilt; emitter-appended) ---
"""Pipeline reference for scband-grid-to-bev-26259430048548 (READ-ONLY COPY).

The authoritative reference and input builder live on the scoring server;
editing this copy changes nothing except your own understanding.
"""

import jax, jax.numpy as jnp
import numpy as np

# GridToBEV (non-attn path): gather max_point neighbor voxel features per downsampled
# BEV voxel (votr_utils.grouping_operation -> gather), append relative coords,
# PFN pointnet (linear+affine-norm+relu, max-pool over points with mid-layer
# max-concat), gather bev feats at new indices, then densify via scatter_nd
# (overwrite scatter) into the dense BEV grid [B, out_ch, 360, 360].

PC_RANGE = np.array([-75.2, -75.2, -2.0, 75.2, 75.2, 4.0], dtype=np.float32)
SPATIAL = np.array([1440.0, 1440.0, 40.0], dtype=np.float32)   # x, y, z
NEW_SPATIAL = np.array([360.0, 360.0, 1.0], dtype=np.float32)  # x, y, z after stride [4,4]


def setup_inputs(seed: int = 0) -> dict:
    key = jax.random.key(seed)
    ks = jax.random.split(key, 10)
    voxel_features = jax.random.normal(ks[0], (100000, 64), dtype=jnp.float32)
    sp_zyx = jax.random.randint(ks[1], (100000, 3), 0, 1440, dtype=jnp.int64 if jax.config.read('jax_enable_x64') else jnp.int32)
    key_indices = jax.random.randint(ks[2], (20000, 16), 0, 100000)
    new_b = jax.random.randint(ks[3], (20000,), 0, 2)
    new_yx = jax.random.randint(ks[4], (20000, 2), 0, 360)
    bev = jax.random.normal(ks[5], (2, 64, 360, 360), dtype=jnp.float32)
    # pointnet params: PFN1 Linear(67 -> 33, no bias) + affine norm; concat max -> 66
    W1 = jax.random.normal(ks[6], (67, 33), dtype=jnp.float32) * 0.05
    g1 = jnp.ones((33,), dtype=jnp.float32)
    b1 = jnp.zeros((33,), dtype=jnp.float32)
    # PFN2 Linear(66 -> 128, no bias) + affine norm, last layer -> max pool
    W2 = jax.random.normal(ks[7], (66, 128), dtype=jnp.float32) * 0.05
    g2 = jnp.ones((128,), dtype=jnp.float32)
    b2 = jnp.zeros((128,), dtype=jnp.float32)
    return {
        'voxel_features': voxel_features, 'sp_zyx': sp_zyx, 'key_indices': key_indices,
        'new_b': new_b, 'new_yx': new_yx, 'bev': bev,
        'W1': W1, 'g1': g1, 'b1': b1, 'W2': W2, 'g2': g2, 'b2': b2,
    }


def reference(voxel_features, sp_zyx, key_indices, new_b, new_yx, bev,
              W1, g1, b1, W2, g2, b2):
    pc_min = jnp.asarray(PC_RANGE[:3])
    pc_size = jnp.asarray(PC_RANGE[3:] - PC_RANGE[:3])
    vsz = pc_size / jnp.asarray(SPATIAL)
    # with_coords for source voxels (indices stored z,y,x -> take x,y,z)
    z = sp_zyx[:, 0] % 40
    y = sp_zyx[:, 1]
    x = sp_zyx[:, 2]
    xyz = jnp.stack([x, y, z], axis=-1).astype(jnp.float32)
    sp_coords = (xyz + 0.5) * vsz + pc_min  # [N, 3]
    # with_coords for downsampled query voxels (z = 0)
    vsz_new = pc_size / jnp.asarray(NEW_SPATIAL)
    q_xyz = jnp.stack([new_yx[:, 1], new_yx[:, 0], jnp.zeros_like(new_b)], axis=-1).astype(jnp.float32)
    que_coords = (q_xyz + 0.5) * vsz_new + pc_min  # [M, 3]
    # grouping_operation -> gathers
    key_feats = voxel_features[key_indices]   # [M, P, 64]
    key_coords = sp_coords[key_indices]       # [M, P, 3]
    # use_relative_coords
    rel = key_coords - que_coords[:, None, :]
    # no positional embedding -> channel concat (mid_ch = in_ch + 3)
    feats = jnp.concatenate([key_feats, rel], axis=-1)  # [M, P, 67]
    # key_mask = gather_indices < 0
    mask = key_indices < 0
    feats = feats * (~mask)[:, :, None].astype(feats.dtype)
    # PFN layer 1 (not last): linear -> affine norm -> relu -> max-concat
    h = feats @ W1
    h = h * g1 + b1
    h = jax.nn.relu(h)
    hmax = jnp.max(h, axis=1, keepdims=True)
    h = jnp.concatenate([h, jnp.broadcast_to(hmax, h.shape)], axis=-1)  # [M, P, 66]
    # PFN layer 2 (last): linear -> affine norm -> relu -> max pool over points
    h2 = h @ W2
    h2 = h2 * g2 + b2
    h2 = jax.nn.relu(h2)
    pooled = jnp.max(h2, axis=1)  # [M, 128]
    # bev feature gather at downsampled indices (bev permuted to NHWC)
    bev_p = jnp.transpose(bev, (0, 2, 3, 1))
    bev_feats = bev_p[new_b, new_yx[:, 0], new_yx[:, 1]]  # [M, 64]
    # densify: scatter_nd (overwrite) into [B, 1, 360, 360, C] -> [B, C, 360, 360]
    dense = jnp.zeros((2, 360, 360, 128), dtype=pooled.dtype)
    dense = dense.at[new_b, new_yx[:, 0], new_yx[:, 1]].set(pooled)
    mid_bev = jnp.transpose(dense, (0, 3, 1, 2))
    return mid_bev


if False:  # reference __main__ guard neutralized (emitter)
    out = reference(**setup_inputs())
    print(out.shape, out.dtype)

if __name__ == "__main__":
    import jax
    _d = setup_inputs()
    print(jax.jit(kernel)(*tuple(_d.values())))

</pallas_src>

<mosaic_0001>
#map = affine_map<(d0, d1) -> (0)>
#map1 = affine_map<(d0, d1) -> (0, 0)>
module attributes {stable_mosaic.version = 14 : i64} {
  func.func @k(%arg0: i32, %arg1: i32, %arg2: memref<20000xi32, #tpu.memory_space<hbm>>, %arg3: memref<22048x128xf32, #tpu.memory_space<hbm>>, %arg4: memref<262144x128xf32, #tpu.memory_space<hbm>>, %arg5: memref<20000xi32, #tpu.memory_space<vmem>>, %arg6: memref<8192xi32, #tpu.memory_space<vmem>>, %arg7: memref<256x128xf32, #tpu.memory_space<vmem>>, %arg8: memref<256x128xf32, #tpu.memory_space<vmem>>, %arg9: memref<!tpu.dma_semaphore, #tpu.memory_space<semaphore_mem>>, %arg10: memref<!tpu.dma_semaphore, #tpu.memory_space<semaphore_mem>>, %arg11: memref<!tpu.dma_semaphore, #tpu.memory_space<semaphore_mem>>, %arg12: memref<!tpu.dma_semaphore, #tpu.memory_space<semaphore_mem>>) attributes {dimension_semantics = [#tpu.dimension_semantics<core_parallel>, #tpu.dimension_semantics<subcore_parallel>], iteration_bounds = array<i64: 2, 16>, scalar_prefetch = 0 : i64, scratch_operands = 8 : i64, tpu.core_type = #tpu.core_type<sc_vector_subcore>, window_params = [{transform_indices = #map}, {transform_indices = #map1}, {transform_indices = #map1}]} {
    %mul3A = arith.constant 2 : i32
    %mul3A_0 = arith.muli %arg1, %mul3A : i32
    %add3A = arith.addi %mul3A_0, %arg0 : i32
    %mul3A_1 = arith.constant 8192 : i32
    %mul3A_2 = arith.muli %add3A, %mul3A_1 : i32
    %iota3A = tpu.iota {dimensions = array<i32: 0>} : vector<16xi32>
    "tpu.region"() ({
      %run_scoped3A = tpu.sem_alloc : memref<!tpu.dma_semaphore, #tpu.memory_space<semaphore_mem>>
      tpu.enqueue_dma source(%arg2 : memref<20000xi32, #tpu.memory_space<hbm>>) target(%arg5 : memref<20000xi32, #tpu.memory_space<vmem>>) target_semaphore(%run_scoped3A : memref<!tpu.dma_semaphore, #tpu.memory_space<semaphore_mem>>)
      tpu.wait_dma2 semaphore(%run_scoped3A : memref<!tpu.dma_semaphore, #tpu.memory_space<semaphore_mem>>) src(%arg2 : memref<20000xi32, #tpu.memory_space<hbm>>) dst(%arg5 : memref<20000xi32, #tpu.memory_space<vmem>>)
      tpu.yield
    }) : () -> ()
    %scan3A = arith.constant 0 : i32
    %scan3A_3 = arith.constant 0 : i32
    %scan3A_4 = arith.constant 512 : i32
    %scan3A_5 = arith.addi %scan3A_3, %scan3A_4 : i32
    %scan3A_6 = arith.constant 1 : i32
    scf.for %scan3A_20 = %scan3A_3 to %scan3A_5 step %scan3A_6  : i32 {
      %mul3A_21 = arith.constant 64 : i32
      %mul3A_22 = arith.muli %add3A, %mul3A_21 : i32
      %add3A_23 = arith.constant 20000 : i32
      %add3A_24 = arith.addi %add3A_23, %mul3A_22 : i32
      %mul3A_25 = arith.constant 16 : i32
      %mul3A_26 = arith.muli %scan3A_20, %mul3A_25 : i32
      %add3A_27 = vector.broadcast %mul3A_26 : i32 to vector<16xi32>
      %add3A_28 = arith.addi %iota3A, %add3A_27 : vector<16xi32>
      %and3A = arith.constant 63 : i32
      %and3A_29 = vector.broadcast %and3A : i32 to vector<16xi32>
      %and3A_30 = arith.andi %add3A_28, %and3A_29 : vector<16xi32>
      %add3A_31 = vector.broadcast %add3A_24 : i32 to vector<16xi32>
      %add3A_32 = arith.addi %add3A_31, %and3A_30 : vector<16xi32>
      %mul3A_33 = arith.constant 16 : i32
      %mul3A_34 = arith.muli %scan3A_20, %mul3A_33 : i32
      %swap3A = arith.index_cast %mul3A_34 : i32 to index
      %swap3A_35 = tpu.vector_load %arg6[%swap3A] {strides = array<i32>} : memref<8192xi32, #tpu.memory_space<vmem>>, vector<16xi32>,
      %swap3A_36 = vector.shape_cast %swap3A_35 : vector<16xi32> to vector<16xi32>
      %swap3A_37 = vector.shape_cast %add3A_32 : vector<16xi32> to vector<16xi32>
      tpu.vector_store %arg6[%swap3A], %swap3A_37 {strides = array<i32>} : memref<8192xi32, #tpu.memory_space<vmem>>, vector<16xi32>,
    }
    %scan3A_7 = arith.constant 512 : i32
    %scan3A_8 = arith.constant 0 : i32
    %scan3A_9 = arith.constant 0 : i32
    %scan3A_10 = arith.constant 1250 : i32
    %scan3A_11 = arith.addi %scan3A_9, %scan3A_10 : i32
    %scan3A_12 = arith.constant 1 : i32
    scf.for %scan3A_20 = %scan3A_9 to %scan3A_11 step %scan3A_12  : i32 {
      %mul3A_21 = arith.constant 16 : i32
      %mul3A_22 = arith.muli %scan3A_20, %mul3A_21 : i32
      %get3A = arith.index_cast %mul3A_22 : i32 to index
      %get3A_23 = tpu.vector_load %arg5[%get3A] {strides = array<i32>} : memref<20000xi32, #tpu.memory_space<vmem>>, vector<16xi32>,
      %get3A_24 = vector.shape_cast %get3A_23 : vector<16xi32> to vector<16xi32>
      %sub3A = vector.broadcast %mul3A_2 : i32 to vector<16xi32>
      %sub3A_25 = arith.subi %get3A_24, %sub3A : vector<16xi32>
      %slice3A = vector.extract_strided_slice %sub3A_25 {offsets = [0], sizes = [1], strides = [1]} : vector<16xi32> to vector<1xi32>
      %squeeze3A = vector.extract %slice3A[0] : i32 from vector<1xi32>
      %ge3A = arith.constant 0 : i32
      %ge3A_26 = arith.cmpi sge, %squeeze3A, %ge3A : i32
      %lt3A = arith.constant 8192 : i32
      %lt3A_27 = arith.cmpi slt, %squeeze3A, %lt3A : i32
      %and3A = arith.andi %ge3A_26, %lt3A_27 : i1
      %convert_element_type3A = arith.extui %and3A : i1 to i32
      %cond3A = arith.constant 0 : i32
      %cond3A_28 = arith.cmpi ne, %convert_element_type3A, %cond3A : i32
      scf.if %cond3A_28 {
        %and3A_179 = arith.constant -16 : i32
        %and3A_180 = arith.andi %squeeze3A, %and3A_179 : i32
        %get3A_181 = arith.index_cast %and3A_180 : i32 to index
        %get3A_182 = tpu.vector_load %arg6[%get3A_181] {strides = array<i32>} : memref<8192xi32, #tpu.memory_space<vmem>>, vector<16xi32>,
        %get3A_183 = vector.shape_cast %get3A_182 : vector<16xi32> to vector<16xi32>
        %and3A_184 = arith.constant 15 : i32
        %and3A_185 = arith.andi %squeeze3A, %and3A_184 : i32
        %eq3A = vector.broadcast %and3A_185 : i32 to vector<16xi32>
        %eq3A_186 = arith.cmpi eq, %iota3A, %eq3A : vector<16xi32>
        %mul3A_187 = arith.constant 16 : i32
        %mul3A_188 = arith.muli %scan3A_20, %mul3A_187 : i32
        %add3A_189 = arith.constant 0 : i32
        %add3A_190 = arith.addi %mul3A_188, %add3A_189 : i32
        %broadcast_in_dim3A = vector.broadcast %add3A_190 : i32 to vector<16xi32>
        %select_n3A = arith.select %eq3A_186, %broadcast_in_dim3A, %get3A_183 : vector<16xi1>, vector<16xi32>
        %swap3A = arith.index_cast %and3A_180 : i32 to index
        %swap3A_191 = tpu.vector_load %arg6[%swap3A] {strides = array<i32>} : memref<8192xi32, #tpu.memory_space<vmem>>, vector<16xi32>,
        %swap3A_192 = vector.shape_cast %swap3A_191 : vector<16xi32> to vector<16xi32>
        %swap3A_193 = vector.shape_cast %select_n3A : vector<16xi32> to vector<16xi32>
        tpu.vector_store %arg6[%swap3A], %swap3A_193 {strides = array<i32>} : memref<8192xi32, #tpu.memory_space<vmem>>, vector<16xi32>,
      } else {
      }
      %slice3A_29 = vector.extract_strided_slice %sub3A_25 {offsets = [1], sizes = [1], strides = [1]} : vector<16xi32> to vector<1xi32>
      %squeeze3A_30 = vector.extract %slice3A_29[0] : i32 from vector<1xi32>
      %ge3A_31 = arith.constant 0 : i32
      %ge3A_32 = arith.cmpi sge, %squeeze3A_30, %ge3A_31 : i32
      %lt3A_33 = arith.constant 8192 : i32
      %lt3A_34 = arith.cmpi slt, %squeeze3A_30, %lt3A_33 : i32
      %and3A_35 = arith.andi %ge3A_32, %lt3A_34 : i1
      %convert_element_type3A_36 = arith.extui %and3A_35 : i1 to i32
      %cond3A_37 = arith.constant 0 : i32
      %cond3A_38 = arith.cmpi ne, %convert_element_type3A_36, %cond3A_37 : i32
      scf.if %cond3A_38 {
        %and3A_179 = arith.constant -16 : i32
        %and3A_180 = arith.andi %squeeze3A_30, %and3A_179 : i32
        %get3A_181 = arith.index_cast %and3A_180 : i32 to index
        %get3A_182 = tpu.vector_load %arg6[%get3A_181] {strides = array<i32>} : memref<8192xi32, #tpu.memory_space<vmem>>, vector<16xi32>,
        %get3A_183 = vector.shape_cast %get3A_182 : vector<16xi32> to vector<16xi32>
        %and3A_184 = arith.constant 15 : i32
        %and3A_185 = arith.andi %squeeze3A_30, %and3A_184 : i32
        %eq3A = vector.broadcast %and3A_185 : i32 to vector<16xi32>
        %eq3A_186 = arith.cmpi eq, %iota3A, %eq3A : vector<16xi32>
        %mul3A_187 = arith.constant 16 : i32
        %mul3A_188 = arith.muli %scan3A_20, %mul3A_187 : i32
        %add3A_189 = arith.constant 1 : i32
        %add3A_190 = arith.addi %mul3A_188, %add3A_189 : i32
        %broadcast_in_dim3A = vector.broadcast %add3A_190 : i32 to vector<16xi32>
        %select_n3A = arith.select %eq3A_186, %broadcast_in_dim3A, %get3A_183 : vector<16xi1>, vector<16xi32>
        %swap3A = arith.index_cast %and3A_180 : i32 to index
        %swap3A_191 = tpu.vector_load %arg6[%swap3A] {strides = array<i32>} : memref<8192xi32, #tpu.memory_space<vmem>>, vector<16xi32>,
        %swap3A_192 = vector.shape_cast %swap3A_191 : vector<16xi32> to vector<16xi32>
        %swap3A_193 = vector.shape_cast %select_n3A : vector<16xi32> to vector<16xi32>
        tpu.vector_store %arg6[%swap3A], %swap3A_193 {strides = array<i32>} : memref<8192xi32, #tpu.memory_space<vmem>>, vector<16xi32>,
      } else {
      }
      %slice3A_39 = vector.extract_strided_slice %sub3A_25 {offsets = [2], sizes = [1], strides = [1]} : vector<16xi32> to vector<1xi32>
      %squeeze3A_40 = vector.extract %slice3A_39[0] : i32 from vector<1xi32>
      %ge3A_41 = arith.constant 0 : i32
      %ge3A_42 = arith.cmpi sge, %squeeze3A_40, %ge3A_41 : i32
      %lt3A_43 = arith.constant 8192 : i32
      %lt3A_44 = arith.cmpi slt, %squeeze3A_40, %lt3A_43 : i32
      %and3A_45 = arith.andi %ge3A_42, %lt3A_44 : i1
      %convert_element_type3A_46 = arith.extui %and3A_45 : i1 to i32
      %cond3A_47 = arith.constant 0 : i32
      %cond3A_48 = arith.cmpi ne, %convert_element_type3A_46, %cond3A_47 : i32
      scf.if %cond3A_48 {
        %and3A_179 = arith.constant -16 : i32
        %and3A_180 = arith.andi %squeeze3A_40, %and3A_179 : i32
        %get3A_181 = arith.index_cast %and3A_180 : i32 to index
        %get3A_182 = tpu.vector_load %arg6[%get3A_181] {strides = array<i32>} : memref<8192xi32, #tpu.memory_space<vmem>>, vector<16xi32>,
        %get3A_183 = vector.shape_cast %get3A_182 : vector<16xi32> to vector<16xi32>
        %and3A_184 = arith.constant 15 : i32
        %and3A_185 = arith.andi %squeeze3A_40, %and3A_184 : i32
        %eq3A = vector.broadcast %and3A_185 : i32 to vector<16xi32>
        %eq3A_186 = arith.cmpi eq, %iota3A, %eq3A : vector<16xi32>
        %mul3A_187 = arith.constant 16 : i32
        %mul3A_188 = arith.muli %scan3A_20, %mul3A_187 : i32
        %add3A_189 = arith.constant 2 : i32
        %add3A_190 = arith.addi %mul3A_188, %add3A_189 : i32
        %broadcast_in_dim3A = vector.broadcast %add3A_190 : i32 to vector<16xi32>
        %select_n3A = arith.select %eq3A_186, %broadcast_in_dim3A, %get3A_183 : vector<16xi1>, vector<16xi32>
        %swap3A = arith.index_cast %and3A_180 : i32 to index
        %swap3A_191 = tpu.vector_load %arg6[%swap3A] {strides = array<i32>} : memref<8192xi32, #tpu.memory_space<vmem>>, vector<16xi32>,
        %swap3A_192 = vector.shape_cast %swap3A_191 : vector<16xi32> to vector<16xi32>
        %swap3A_193 = vector.shape_cast %select_n3A : vector<16xi32> to vector<16xi32>
        tpu.vector_store %arg6[%swap3A], %swap3A_193 {strides = array<i32>} : memref<8192xi32, #tpu.memory_space<vmem>>, vector<16xi32>,
      } else {
      }
      %slice3A_49 = vector.extract_strided_slice %sub3A_25 {offsets = [3], sizes = [1], strides = [1]} : vector<16xi32> to vector<1xi32>
      %squeeze3A_50 = vector.extract %slice3A_49[0] : i32 from vector<1xi32>
      %ge3A_51 = arith.constant 0 : i32
      %ge3A_52 = arith.cmpi sge, %squeeze3A_50, %ge3A_51 : i32
      %lt3A_53 = arith.constant 8192 : i32
      %lt3A_54 = arith.cmpi slt, %squeeze3A_50, %lt3A_53 : i32
      %and3A_55 = arith.andi %ge3A_52, %lt3A_54 : i1
      %convert_element_type3A_56 = arith.extui %and3A_55 : i1 to i32
      %cond3A_57 = arith.constant 0 : i32
      %cond3A_58 = arith.cmpi ne, %convert_element_type3A_56, %cond3A_57 : i32
      scf.if %cond3A_58 {
        %and3A_179 = arith.constant -16 : i32
        %and3A_180 = arith.andi %squeeze3A_50, %and3A_179 : i32
        %get3A_181 = arith.index_cast %and3A_180 : i32 to index
        %get3A_182 = tpu.vector_load %arg6[%get3A_181] {strides = array<i32>} : memref<8192xi32, #tpu.memory_space<vmem>>, vector<16xi32>,
        %get3A_183 = vector.shape_cast %get3A_182 : vector<16xi32> to vector<16xi32>
        %and3A_184 = arith.constant 15 : i32
        %and3A_185 = arith.andi %squeeze3A_50, %and3A_184 : i32
        %eq3A = vector.broadcast %and3A_185 : i32 to vector<16xi32>
        %eq3A_186 = arith.cmpi eq, %iota3A, %eq3A : vector<16xi32>
        %mul3A_187 = arith.constant 16 : i32
        %mul3A_188 = arith.muli %scan3A_20, %mul3A_187 : i32
        %add3A_189 = arith.constant 3 : i32
        %add3A_190 = arith.addi %mul3A_188, %add3A_189 : i32
        %broadcast_in_dim3A = vector.broadcast %add3A_190 : i32 to vector<16xi32>
        %select_n3A = arith.select %eq3A_186, %broadcast_in_dim3A, %get3A_183 : vector<16xi1>, vector<16xi32>
        %swap3A = arith.index_cast %and3A_180 : i32 to index
        %swap3A_191 = tpu.vector_load %arg6[%swap3A] {strides = array<i32>} : memref<8192xi32, #tpu.memory_space<vmem>>, vector<16xi32>,
        %swap3A_192 = vector.shape_cast %swap3A_191 : vector<16xi32> to vector<16xi32>
        %swap3A_193 = vector.shape_cast %select_n3A : vector<16xi32> to vector<16xi32>
        tpu.vector_store %arg6[%swap3A], %swap3A_193 {strides = array<i32>} : memref<8192xi32, #tpu.memory_space<vmem>>, vector<16xi32>,
      } else {
      }
      %slice3A_59 = vector.extract_strided_slice %sub3A_25 {offsets = [4], sizes = [1], strides = [1]} : vector<16xi32> to vector<1xi32>
      %squeeze3A_60 = vector.extract %slice3A_59[0] : i32 from vector<1xi32>
      %ge3A_61 = arith.constant 0 : i32
      %ge3A_62 = arith.cmpi sge, %squeeze3A_60, %ge3A_61 : i32
      %lt3A_63 = arith.constant 8192 : i32
      %lt3A_64 = arith.cmpi slt, %squeeze3A_60, %lt3A_63 : i32
      %and3A_65 = arith.andi %ge3A_62, %lt3A_64 : i1
      %convert_element_type3A_66 = arith.extui %and3A_65 : i1 to i32
      %cond3A_67 = arith.constant 0 : i32
      %cond3A_68 = arith.cmpi ne, %convert_element_type3A_66, %cond3A_67 : i32
      scf.if %cond3A_68 {
        %and3A_179 = arith.constant -16 : i32
        %and3A_180 = arith.andi %squeeze3A_60, %and3A_179 : i32
        %get3A_181 = arith.index_cast %and3A_180 : i32 to index
        %get3A_182 = tpu.vector_load %arg6[%get3A_181] {strides = array<i32>} : memref<8192xi32, #tpu.memory_space<vmem>>, vector<16xi32>,
        %get3A_183 = vector.shape_cast %get3A_182 : vector<16xi32> to vector<16xi32>
        %and3A_184 = arith.constant 15 : i32
        %and3A_185 = arith.andi %squeeze3A_60, %and3A_184 : i32
        %eq3A = vector.broadcast %and3A_185 : i32 to vector<16xi32>
        %eq3A_186 = arith.cmpi eq, %iota3A, %eq3A : vector<16xi32>
        %mul3A_187 = arith.constant 16 : i32
        %mul3A_188 = arith.muli %scan3A_20, %mul3A_187 : i32
        %add3A_189 = arith.constant 4 : i32
        %add3A_190 = arith.addi %mul3A_188, %add3A_189 : i32
        %broadcast_in_dim3A = vector.broadcast %add3A_190 : i32 to vector<16xi32>
        %select_n3A = arith.select %eq3A_186, %broadcast_in_dim3A, %get3A_183 : vector<16xi1>, vector<16xi32>
        %swap3A = arith.index_cast %and3A_180 : i32 to index
        %swap3A_191 = tpu.vector_load %arg6[%swap3A] {strides = array<i32>} : memref<8192xi32, #tpu.memory_space<vmem>>, vector<16xi32>,
        %swap3A_192 = vector.shape_cast %swap3A_191 : vector<16xi32> to vector<16xi32>
        %swap3A_193 = vector.shape_cast %select_n3A : vector<16xi32> to vector<16xi32>
        tpu.vector_store %arg6[%swap3A], %swap3A_193 {strides = array<i32>} : memref<8192xi32, #tpu.memory_space<vmem>>, vector<16xi32>,
      } else {
      }
      %slice3A_69 = vector.extract_strided_slice %sub3A_25 {offsets = [5], sizes = [1], strides = [1]} : vector<16xi32> to vector<1xi32>
      %squeeze3A_70 = vector.extract %slice3A_69[0] : i32 from vector<1xi32>
      %ge3A_71 = arith.constant 0 : i32
      %ge3A_72 = arith.cmpi sge, %squeeze3A_70, %ge3A_71 : i32
      %lt3A_73 = arith.constant 8192 : i32
      %lt3A_74 = arith.cmpi slt, %squeeze3A_70, %lt3A_73 : i32
      %and3A_75 = arith.andi %ge3A_72, %lt3A_74 : i1
      %convert_element_type3A_76 = arith.extui %and3A_75 : i1 to i32
      %cond3A_77 = arith.constant 0 : i32
      %cond3A_78 = arith.cmpi ne, %convert_element_type3A_76, %cond3A_77 : i32
      scf.if %cond3A_78 {
        %and3A_179 = arith.constant -16 : i32
        %and3A_180 = arith.andi %squeeze3A_70, %and3A_179 : i32
        %get3A_181 = arith.index_cast %and3A_180 : i32 to index
        %get3A_182 = tpu.vector_load %arg6[%get3A_181] {strides = array<i32>} : memref<8192xi32, #tpu.memory_space<vmem>>, vector<16xi32>,
        %get3A_183 = vector.shape_cast %get3A_182 : vector<16xi32> to vector<16xi32>
        %and3A_184 = arith.constant 15 : i32
        %and3A_185 = arith.andi %squeeze3A_70, %and3A_184 : i32
        %eq3A = vector.broadcast %and3A_185 : i32 to vector<16xi32>
        %eq3A_186 = arith.cmpi eq, %iota3A, %eq3A : vector<16xi32>
        %mul3A_187 = arith.constant 16 : i32
        %mul3A_188 = arith.muli %scan3A_20, %mul3A_187 : i32
        %add3A_189 = arith.constant 5 : i32
        %add3A_190 = arith.addi %mul3A_188, %add3A_189 : i32
        %broadcast_in_dim3A = vector.broadcast %add3A_190 : i32 to vector<16xi32>
        %select_n3A = arith.select %eq3A_186, %broadcast_in_dim3A, %get3A_183 : vector<16xi1>, vector<16xi32>
        %swap3A = arith.index_cast %and3A_180 : i32 to index
        %swap3A_191 = tpu.vector_load %arg6[%swap3A] {strides = array<i32>} : memref<8192xi32, #tpu.memory_space<vmem>>, vector<16xi32>,
        %swap3A_192 = vector.shape_cast %swap3A_191 : vector<16xi32> to vector<16xi32>
        %swap3A_193 = vector.shape_cast %select_n3A : vector<16xi32> to vector<16xi32>
        tpu.vector_store %arg6[%swap3A], %swap3A_193 {strides = array<i32>} : memref<8192xi32, #tpu.memory_space<vmem>>, vector<16xi32>,
      } else {
      }
      %slice3A_79 = vector.extract_strided_slice %sub3A_25 {offsets = [6], sizes = [1], strides = [1]} : vector<16xi32> to vector<1xi32>
      %squeeze3A_80 = vector.extract %slice3A_79[0] : i32 from vector<1xi32>
      %ge3A_81 = arith.constant 0 : i32
      %ge3A_82 = arith.cmpi sge, %squeeze3A_80, %ge3A_81 : i32
      %lt3A_83 = arith.constant 8192 : i32
      %lt3A_84 = arith.cmpi slt, %squeeze3A_80, %lt3A_83 : i32
      %and3A_85 = arith.andi %ge3A_82, %lt3A_84 : i1
      %convert_element_type3A_86 = arith.extui %and3A_85 : i1 to i32
      %cond3A_87 = arith.constant 0 : i32
      %cond3A_88 = arith.cmpi ne, %convert_element_type3A_86, %cond3A_87 : i32
      scf.if %cond3A_88 {
        %and3A_179 = arith.constant -16 : i32
        %and3A_180 = arith.andi %squeeze3A_80, %and3A_179 : i32
        %get3A_181 = arith.index_cast %and3A_180 : i32 to index
        %get3A_182 = tpu.vector_load %arg6[%get3A_181] {strides = array<i32>} : memref<8192xi32, #tpu.memory_space<vmem>>, vector<16xi32>,
        %get3A_183 = vector.shape_cast %get3A_182 : vector<16xi32> to vector<16xi32>
        %and3A_184 = arith.constant 15 : i32
        %and3A_185 = arith.andi %squeeze3A_80, %and3A_184 : i32
        %eq3A = vector.broadcast %and3A_185 : i32 to vector<16xi32>
        %eq3A_186 = arith.cmpi eq, %iota3A, %eq3A : vector<16xi32>
        %mul3A_187 = arith.constant 16 : i32
        %mul3A_188 = arith.muli %scan3A_20, %mul3A_187 : i32
        %add3A_189 = arith.constant 6 : i32
        %add3A_190 = arith.addi %mul3A_188, %add3A_189 : i32
        %broadcast_in_dim3A = vector.broadcast %add3A_190 : i32 to vector<16xi32>
        %select_n3A = arith.select %eq3A_186, %broadcast_in_dim3A, %get3A_183 : vector<16xi1>, vector<16xi32>
        %swap3A = arith.index_cast %and3A_180 : i32 to index
        %swap3A_191 = tpu.vector_load %arg6[%swap3A] {strides = array<i32>} : memref<8192xi32, #tpu.memory_space<vmem>>, vector<16xi32>,
        %swap3A_192 = vector.shape_cast %swap3A_191 : vector<16xi32> to vector<16xi32>
        %swap3A_193 = vector.shape_cast %select_n3A : vector<16xi32> to vector<16xi32>
        tpu.vector_store %arg6[%swap3A], %swap3A_193 {strides = array<i32>} : memref<8192xi32, #tpu.memory_space<vmem>>, vector<16xi32>,
      } else {
      }
      %slice3A_89 = vector.extract_strided_slice %sub3A_25 {offsets = [7], sizes = [1], strides = [1]} : vector<16xi32> to vector<1xi32>
      %squeeze3A_90 = vector.extract %slice3A_89[0] : i32 from vector<1xi32>
      %ge3A_91 = arith.constant 0 : i32
      %ge3A_92 = arith.cmpi sge, %squeeze3A_90, %ge3A_91 : i32
      %lt3A_93 = arith.constant 8192 : i32
      %lt3A_94 = arith.cmpi slt, %squeeze3A_90, %lt3A_93 : i32
      %and3A_95 = arith.andi %ge3A_92, %lt3A_94 : i1
      %convert_element_type3A_96 = arith.extui %and3A_95 : i1 to i32
      %cond3A_97 = arith.constant 0 : i32
      %cond3A_98 = arith.cmpi ne, %convert_element_type3A_96, %cond3A_97 : i32
      scf.if %cond3A_98 {
        %and3A_179 = arith.constant -16 : i32
        %and3A_180 = arith.andi %squeeze3A_90, %and3A_179 : i32
        %get3A_181 = arith.index_cast %and3A_180 : i32 to index
        %get3A_182 = tpu.vector_load %arg6[%get3A_181] {strides = array<i32>} : memref<8192xi32, #tpu.memory_space<vmem>>, vector<16xi32>,
        %get3A_183 = vector.shape_cast %get3A_182 : vector<16xi32> to vector<16xi32>
        %and3A_184 = arith.constant 15 : i32
        %and3A_185 = arith.andi %squeeze3A_90, %and3A_184 : i32
        %eq3A = vector.broadcast %and3A_185 : i32 to vector<16xi32>
        %eq3A_186 = arith.cmpi eq, %iota3A, %eq3A : vector<16xi32>
        %mul3A_187 = arith.constant 16 : i32
        %mul3A_188 = arith.muli %scan3A_20, %mul3A_187 : i32
        %add3A_189 = arith.constant 7 : i32
        %add3A_190 = arith.addi %mul3A_188, %add3A_189 : i32
        %broadcast_in_dim3A = vector.broadcast %add3A_190 : i32 to vector<16xi32>
        %select_n3A = arith.select %eq3A_186, %broadcast_in_dim3A, %get3A_183 : vector<16xi1>, vector<16xi32>
        %swap3A = arith.index_cast %and3A_180 : i32 to index
        %swap3A_191 = tpu.vector_load %arg6[%swap3A] {strides = array<i32>} : memref<8192xi32, #tpu.memory_space<vmem>>, vector<16xi32>,
        %swap3A_192 = vector.shape_cast %swap3A_191 : vector<16xi32> to vector<16xi32>
        %swap3A_193 = vector.shape_cast %select_n3A : vector<16xi32> to vector<16xi32>
        tpu.vector_store %arg6[%swap3A], %swap3A_193 {strides = array<i32>} : memref<8192xi32, #tpu.memory_space<vmem>>, vector<16xi32>,
      } else {
      }
      %slice3A_99 = vector.extract_strided_slice %sub3A_25 {offsets = [8], sizes = [1], strides = [1]} : vector<16xi32> to vector<1xi32>
      %squeeze3A_100 = vector.extract %slice3A_99[0] : i32 from vector<1xi32>
      %ge3A_101 = arith.constant 0 : i32
      %ge3A_102 = arith.cmpi sge, %squeeze3A_100, %ge3A_101 : i32
      %lt3A_103 = arith.constant 8192 : i32
      %lt3A_104 = arith.cmpi slt, %squeeze3A_100, %lt3A_103 : i32
      %and3A_105 = arith.andi %ge3A_102, %lt3A_104 : i1
      %convert_element_type3A_106 = arith.extui %and3A_105 : i1 to i32
      %cond3A_107 = arith.constant 0 : i32
      %cond3A_108 = arith.cmpi ne, %convert_element_type3A_106, %cond3A_107 : i32
      scf.if %cond3A_108 {
        %and3A_179 = arith.constant -16 : i32
        %and3A_180 = arith.andi %squeeze3A_100, %and3A_179 : i32
        %get3A_181 = arith.index_cast %and3A_180 : i32 to index
        %get3A_182 = tpu.vector_load %arg6[%get3A_181] {strides = array<i32>} : memref<8192xi32, #tpu.memory_space<vmem>>, vector<16xi32>,
        %get3A_183 = vector.shape_cast %get3A_182 : vector<16xi32> to vector<16xi32>
        %and3A_184 = arith.constant 15 : i32
        %and3A_185 = arith.andi %squeeze3A_100, %and3A_184 : i32
        %eq3A = vector.broadcast %and3A_185 : i32 to vector<16xi32>
        %eq3A_186 = arith.cmpi eq, %iota3A, %eq3A : vector<16xi32>
        %mul3A_187 = arith.constant 16 : i32
        %mul3A_188 = arith.muli %scan3A_20, %mul3A_187 : i32
        %add3A_189 = arith.constant 8 : i32
        %add3A_190 = arith.addi %mul3A_188, %add3A_189 : i32
        %broadcast_in_dim3A = vector.broadcast %add3A_190 : i32 to vector<16xi32>
        %select_n3A = arith.select %eq3A_186, %broadcast_in_dim3A, %get3A_183 : vector<16xi1>, vector<16xi32>
        %swap3A = arith.index_cast %and3A_180 : i32 to index
        %swap3A_191 = tpu.vector_load %arg6[%swap3A] {strides = array<i32>} : memref<8192xi32, #tpu.memory_space<vmem>>, vector<16xi32>,
        %swap3A_192 = vector.shape_cast %swap3A_191 : vector<16xi32> to vector<16xi32>
        %swap3A_193 = vector.shape_cast %select_n3A : vector<16xi32> to vector<16xi32>
        tpu.vector_store %arg6[%swap3A], %swap3A_193 {strides = array<i32>} : memref<8192xi32, #tpu.memory_space<vmem>>, vector<16xi32>,
      } else {
      }
      %slice3A_109 = vector.extract_strided_slice %sub3A_25 {offsets = [9], sizes = [1], strides = [1]} : vector<16xi32> to vector<1xi32>
      %squeeze3A_110 = vector.extract %slice3A_109[0] : i32 from vector<1xi32>
      %ge3A_111 = arith.constant 0 : i32
      %ge3A_112 = arith.cmpi sge, %squeeze3A_110, %ge3A_111 : i32
      %lt3A_113 = arith.constant 8192 : i32
      %lt3A_114 = arith.cmpi slt, %squeeze3A_110, %lt3A_113 : i32
      %and3A_115 = arith.andi %ge3A_112, %lt3A_114 : i1
      %convert_element_type3A_116 = arith.extui %and3A_115 : i1 to i32
      %cond3A_117 = arith.constant 0 : i32
      %cond3A_118 = arith.cmpi ne, %convert_element_type3A_116, %cond3A_117 : i32
      scf.if %cond3A_118 {
        %and3A_179 = arith.constant -16 : i32
        %and3A_180 = arith.andi %squeeze3A_110, %and3A_179 : i32
        %get3A_181 = arith.index_cast %and3A_180 : i32 to index
        %get3A_182 = tpu.vector_load %arg6[%get3A_181] {strides = array<i32>} : memref<8192xi32, #tpu.memory_space<vmem>>, vector<16xi32>,
        %get3A_183 = vector.shape_cast %get3A_182 : vector<16xi32> to vector<16xi32>
        %and3A_184 = arith.constant 15 : i32
        %and3A_185 = arith.andi %squeeze3A_110, %and3A_184 : i32
        %eq3A = vector.broadcast %and3A_185 : i32 to vector<16xi32>
        %eq3A_186 = arith.cmpi eq, %iota3A, %eq3A : vector<16xi32>
        %mul3A_187 = arith.constant 16 : i32
        %mul3A_188 = arith.muli %scan3A_20, %mul3A_187 : i32
        %add3A_189 = arith.constant 9 : i32
        %add3A_190 = arith.addi %mul3A_188, %add3A_189 : i32
        %broadcast_in_dim3A = vector.broadcast %add3A_190 : i32 to vector<16xi32>
        %select_n3A = arith.select %eq3A_186, %broadcast_in_dim3A, %get3A_183 : vector<16xi1>, vector<16xi32>
        %swap3A = arith.index_cast %and3A_180 : i32 to index
        %swap3A_191 = tpu.vector_load %arg6[%swap3A] {strides = array<i32>} : memref<8192xi32, #tpu.memory_space<vmem>>, vector<16xi32>,
        %swap3A_192 = vector.shape_cast %swap3A_191 : vector<16xi32> to vector<16xi32>
        %swap3A_193 = vector.shape_cast %select_n3A : vector<16xi32> to vector<16xi32>
        tpu.vector_store %arg6[%swap3A], %swap3A_193 {strides = array<i32>} : memref<8192xi32, #tpu.memory_space<vmem>>, vector<16xi32>,
      } else {
      }
      %slice3A_119 = vector.extract_strided_slice %sub3A_25 {offsets = [10], sizes = [1], strides = [1]} : vector<16xi32> to vector<1xi32>
      %squeeze3A_120 = vector.extract %slice3A_119[0] : i32 from vector<1xi32>
      %ge3A_121 = arith.constant 0 : i32
      %ge3A_122 = arith.cmpi sge, %squeeze3A_120, %ge3A_121 : i32
      %lt3A_123 = arith.constant 8192 : i32
      %lt3A_124 = arith.cmpi slt, %squeeze3A_120, %lt3A_123 : i32
      %and3A_125 = arith.andi %ge3A_122, %lt3A_124 : i1
      %convert_element_type3A_126 = arith.extui %and3A_125 : i1 to i32
      %cond3A_127 = arith.constant 0 : i32
      %cond3A_128 = arith.cmpi ne, %convert_element_type3A_126, %cond3A_127 : i32
      scf.if %cond3A_128 {
        %and3A_179 = arith.constant -16 : i32
        %and3A_180 = arith.andi %squeeze3A_120, %and3A_179 : i32
        %get3A_181 = arith.index_cast %and3A_180 : i32 to index
        %get3A_182 = tpu.vector_load %arg6[%get3A_181] {strides = array<i32>} : memref<8192xi32, #tpu.memory_space<vmem>>, vector<16xi32>,
        %get3A_183 = vector.shape_cast %get3A_182 : vector<16xi32> to vector<16xi32>
        %and3A_184 = arith.constant 15 : i32
        %and3A_185 = arith.andi %squeeze3A_120, %and3A_184 : i32
        %eq3A = vector.broadcast %and3A_185 : i32 to vector<16xi32>
        %eq3A_186 = arith.cmpi eq, %iota3A, %eq3A : vector<16xi32>
        %mul3A_187 = arith.constant 16 : i32
        %mul3A_188 = arith.muli %scan3A_20, %mul3A_187 : i32
        %add3A_189 = arith.constant 10 : i32
        %add3A_190 = arith.addi %mul3A_188, %add3A_189 : i32
        %broadcast_in_dim3A = vector.broadcast %add3A_190 : i32 to vector<16xi32>
        %select_n3A = arith.select %eq3A_186, %broadcast_in_dim3A, %get3A_183 : vector<16xi1>, vector<16xi32>
        %swap3A = arith.index_cast %and3A_180 : i32 to index
        %swap3A_191 = tpu.vector_load %arg6[%swap3A] {strides = array<i32>} : memref<8192xi32, #tpu.memory_space<vmem>>, vector<16xi32>,
        %swap3A_192 = vector.shape_cast %swap3A_191 : vector<16xi32> to vector<16xi32>
        %swap3A_193 = vector.shape_cast %select_n3A : vector<16xi32> to vector<16xi32>
        tpu.vector_store %arg6[%swap3A], %swap3A_193 {strides = array<i32>} : memref<8192xi32, #tpu.memory_space<vmem>>, vector<16xi32>,
      } else {
      }
      %slice3A_129 = vector.extract_strided_slice %sub3A_25 {offsets = [11], sizes = [1], strides = [1]} : vector<16xi32> to vector<1xi32>
      %squeeze3A_130 = vector.extract %slice3A_129[0] : i32 from vector<1xi32>
      %ge3A_131 = arith.constant 0 : i32
      %ge3A_132 = arith.cmpi sge, %squeeze3A_130, %ge3A_131 : i32
      %lt3A_133 = arith.constant 8192 : i32
      %lt3A_134 = arith.cmpi slt, %squeeze3A_130, %lt3A_133 : i32
      %and3A_135 = arith.andi %ge3A_132, %lt3A_134 : i1
      %convert_element_type3A_136 = arith.extui %and3A_135 : i1 to i32
      %cond3A_137 = arith.constant 0 : i32
      %cond3A_138 = arith.cmpi ne, %convert_element_type3A_136, %cond3A_137 : i32
      scf.if %cond3A_138 {
        %and3A_179 = arith.constant -16 : i32
        %and3A_180 = arith.andi %squeeze3A_130, %and3A_179 : i32
        %get3A_181 = arith.index_cast %and3A_180 : i32 to index
        %get3A_182 = tpu.vector_load %arg6[%get3A_181] {strides = array<i32>} : memref<8192xi32, #tpu.memory_space<vmem>>, vector<16xi32>,
        %get3A_183 = vector.shape_cast %get3A_182 : vector<16xi32> to vector<16xi32>
        %and3A_184 = arith.constant 15 : i32
        %and3A_185 = arith.andi %squeeze3A_130, %and3A_184 : i32
        %eq3A = vector.broadcast %and3A_185 : i32 to vector<16xi32>
        %eq3A_186 = arith.cmpi eq, %iota3A, %eq3A : vector<16xi32>
        %mul3A_187 = arith.constant 16 : i32
        %mul3A_188 = arith.muli %scan3A_20, %mul3A_187 : i32
        %add3A_189 = arith.constant 11 : i32
        %add3A_190 = arith.addi %mul3A_188, %add3A_189 : i32
        %broadcast_in_dim3A = vector.broadcast %add3A_190 : i32 to vector<16xi32>
        %select_n3A = arith.select %eq3A_186, %broadcast_in_dim3A, %get3A_183 : vector<16xi1>, vector<16xi32>
        %swap3A = arith.index_cast %and3A_180 : i32 to index
        %swap3A_191 = tpu.vector_load %arg6[%swap3A] {strides = array<i32>} : memref<8192xi32, #tpu.memory_space<vmem>>, vector<16xi32>,
        %swap3A_192 = vector.shape_cast %swap3A_191 : vector<16xi32> to vector<16xi32>
        %swap3A_193 = vector.shape_cast %select_n3A : vector<16xi32> to vector<16xi32>
        tpu.vector_store %arg6[%swap3A], %swap3A_193 {strides = array<i32>} : memref<8192xi32, #tpu.memory_space<vmem>>, vector<16xi32>,
      } else {
      }
      %slice3A_139 = vector.extract_strided_slice %sub3A_25 {offsets = [12], sizes = [1], strides = [1]} : vector<16xi32> to vector<1xi32>
      %squeeze3A_140 = vector.extract %slice3A_139[0] : i32 from vector<1xi32>
      %ge3A_141 = arith.constant 0 : i32
      %ge3A_142 = arith.cmpi sge, %squeeze3A_140, %ge3A_141 : i32
      %lt3A_143 = arith.constant 8192 : i32
      %lt3A_144 = arith.cmpi slt, %squeeze3A_140, %lt3A_143 : i32
      %and3A_145 = arith.andi %ge3A_142, %lt3A_144 : i1
      %convert_element_type3A_146 = arith.extui %and3A_145 : i1 to i32
      %cond3A_147 = arith.constant 0 : i32
      %cond3A_148 = arith.cmpi ne, %convert_element_type3A_146, %cond3A_147 : i32
      scf.if %cond3A_148 {
        %and3A_179 = arith.constant -16 : i32
        %and3A_180 = arith.andi %squeeze3A_140, %and3A_179 : i32
        %get3A_181 = arith.index_cast %and3A_180 : i32 to index
        %get3A_182 = tpu.vector_load %arg6[%get3A_181] {strides = array<i32>} : memref<8192xi32, #tpu.memory_space<vmem>>, vector<16xi32>,
        %get3A_183 = vector.shape_cast %get3A_182 : vector<16xi32> to vector<16xi32>
        %and3A_184 = arith.constant 15 : i32
        %and3A_185 = arith.andi %squeeze3A_140, %and3A_184 : i32
        %eq3A = vector.broadcast %and3A_185 : i32 to vector<16xi32>
        %eq3A_186 = arith.cmpi eq, %iota3A, %eq3A : vector<16xi32>
        %mul3A_187 = arith.constant 16 : i32
        %mul3A_188 = arith.muli %scan3A_20, %mul3A_187 : i32
        %add3A_189 = arith.constant 12 : i32
        %add3A_190 = arith.addi %mul3A_188, %add3A_189 : i32
        %broadcast_in_dim3A = vector.broadcast %add3A_190 : i32 to vector<16xi32>
        %select_n3A = arith.select %eq3A_186, %broadcast_in_dim3A, %get3A_183 : vector<16xi1>, vector<16xi32>
        %swap3A = arith.index_cast %and3A_180 : i32 to index
        %swap3A_191 = tpu.vector_load %arg6[%swap3A] {strides = array<i32>} : memref<8192xi32, #tpu.memory_space<vmem>>, vector<16xi32>,
        %swap3A_192 = vector.shape_cast %swap3A_191 : vector<16xi32> to vector<16xi32>
        %swap3A_193 = vector.shape_cast %select_n3A : vector<16xi32> to vector<16xi32>
        tpu.vector_store %arg6[%swap3A], %swap3A_193 {strides = array<i32>} : memref<8192xi32, #tpu.memory_space<vmem>>, vector<16xi32>,
      } else {
      }
      %slice3A_149 = vector.extract_strided_slice %sub3A_25 {offsets = [13], sizes = [1], strides = [1]} : vector<16xi32> to vector<1xi32>
      %squeeze3A_150 = vector.extract %slice3A_149[0] : i32 from vector<1xi32>
      %ge3A_151 = arith.constant 0 : i32
      %ge3A_152 = arith.cmpi sge, %squeeze3A_150, %ge3A_151 : i32
      %lt3A_153 = arith.constant 8192 : i32
      %lt3A_154 = arith.cmpi slt, %squeeze3A_150, %lt3A_153 : i32
      %and3A_155 = arith.andi %ge3A_152, %lt3A_154 : i1
      %convert_element_type3A_156 = arith.extui %and3A_155 : i1 to i32
      %cond3A_157 = arith.constant 0 : i32
      %cond3A_158 = arith.cmpi ne, %convert_element_type3A_156, %cond3A_157 : i32
      scf.if %cond3A_158 {
        %and3A_179 = arith.constant -16 : i32
        %and3A_180 = arith.andi %squeeze3A_150, %and3A_179 : i32
        %get3A_181 = arith.index_cast %and3A_180 : i32 to index
        %get3A_182 = tpu.vector_load %arg6[%get3A_181] {strides = array<i32>} : memref<8192xi32, #tpu.memory_space<vmem>>, vector<16xi32>,
        %get3A_183 = vector.shape_cast %get3A_182 : vector<16xi32> to vector<16xi32>
        %and3A_184 = arith.constant 15 : i32
        %and3A_185 = arith.andi %squeeze3A_150, %and3A_184 : i32
        %eq3A = vector.broadcast %and3A_185 : i32 to vector<16xi32>
        %eq3A_186 = arith.cmpi eq, %iota3A, %eq3A : vector<16xi32>
        %mul3A_187 = arith.constant 16 : i32
        %mul3A_188 = arith.muli %scan3A_20, %mul3A_187 : i32
        %add3A_189 = arith.constant 13 : i32
        %add3A_190 = arith.addi %mul3A_188, %add3A_189 : i32
        %broadcast_in_dim3A = vector.broadcast %add3A_190 : i32 to vector<16xi32>
        %select_n3A = arith.select %eq3A_186, %broadcast_in_dim3A, %get3A_183 : vector<16xi1>, vector<16xi32>
        %swap3A = arith.index_cast %and3A_180 : i32 to index
        %swap3A_191 = tpu.vector_load %arg6[%swap3A] {strides = array<i32>} : memref<8192xi32, #tpu.memory_space<vmem>>, vector<16xi32>,
        %swap3A_192 = vector.shape_cast %swap3A_191 : vector<16xi32> to vector<16xi32>
        %swap3A_193 = vector.shape_cast %select_n3A : vector<16xi32> to vector<16xi32>
        tpu.vector_store %arg6[%swap3A], %swap3A_193 {strides = array<i32>} : memref<8192xi32, #tpu.memory_space<vmem>>, vector<16xi32>,
      } else {
      }
      %slice3A_159 = vector.extract_strided_slice %sub3A_25 {offsets = [14], sizes = [1], strides = [1]} : vector<16xi32> to vector<1xi32>
      %squeeze3A_160 = vector.extract %slice3A_159[0] : i32 from vector<1xi32>
      %ge3A_161 = arith.constant 0 : i32
      %ge3A_162 = arith.cmpi sge, %squeeze3A_160, %ge3A_161 : i32
      %lt3A_163 = arith.constant 8192 : i32
      %lt3A_164 = arith.cmpi slt, %squeeze3A_160, %lt3A_163 : i32
      %and3A_165 = arith.andi %ge3A_162, %lt3A_164 : i1
      %convert_element_type3A_166 = arith.extui %and3A_165 : i1 to i32
      %cond3A_167 = arith.constant 0 : i32
      %cond3A_168 = arith.cmpi ne, %convert_element_type3A_166, %cond3A_167 : i32
      scf.if %cond3A_168 {
        %and3A_179 = arith.constant -16 : i32
        %and3A_180 = arith.andi %squeeze3A_160, %and3A_179 : i32
        %get3A_181 = arith.index_cast %and3A_180 : i32 to index
        %get3A_182 = tpu.vector_load %arg6[%get3A_181] {strides = array<i32>} : memref<8192xi32, #tpu.memory_space<vmem>>, vector<16xi32>,
        %get3A_183 = vector.shape_cast %get3A_182 : vector<16xi32> to vector<16xi32>
        %and3A_184 = arith.constant 15 : i32
        %and3A_185 = arith.andi %squeeze3A_160, %and3A_184 : i32
        %eq3A = vector.broadcast %and3A_185 : i32 to vector<16xi32>
        %eq3A_186 = arith.cmpi eq, %iota3A, %eq3A : vector<16xi32>
        %mul3A_187 = arith.constant 16 : i32
        %mul3A_188 = arith.muli %scan3A_20, %mul3A_187 : i32
        %add3A_189 = arith.constant 14 : i32
        %add3A_190 = arith.addi %mul3A_188, %add3A_189 : i32
        %broadcast_in_dim3A = vector.broadcast %add3A_190 : i32 to vector<16xi32>
        %select_n3A = arith.select %eq3A_186, %broadcast_in_dim3A, %get3A_183 : vector<16xi1>, vector<16xi32>
        %swap3A = arith.index_cast %and3A_180 : i32 to index
        %swap3A_191 = tpu.vector_load %arg6[%swap3A] {strides = array<i32>} : memref<8192xi32, #tpu.memory_space<vmem>>, vector<16xi32>,
        %swap3A_192 = vector.shape_cast %swap3A_191 : vector<16xi32> to vector<16xi32>
        %swap3A_193 = vector.shape_cast %select_n3A : vector<16xi32> to vector<16xi32>
        tpu.vector_store %arg6[%swap3A], %swap3A_193 {strides = array<i32>} : memref<8192xi32, #tpu.memory_space<vmem>>, vector<16xi32>,
      } else {
      }
      %slice3A_169 = vector.extract_strided_slice %sub3A_25 {offsets = [15], sizes = [1], strides = [1]} : vector<16xi32> to vector<1xi32>
      %squeeze3A_170 = vector.extract %slice3A_169[0] : i32 from vector<1xi32>
      %ge3A_171 = arith.constant 0 : i32
      %ge3A_172 = arith.cmpi sge, %squeeze3A_170, %ge3A_171 : i32
      %lt3A_173 = arith.constant 8192 : i32
      %lt3A_174 = arith.cmpi slt, %squeeze3A_170, %lt3A_173 : i32
      %and3A_175 = arith.andi %ge3A_172, %lt3A_174 : i1
      %convert_element_type3A_176 = arith.extui %and3A_175 : i1 to i32
      %cond3A_177 = arith.constant 0 : i32
      %cond3A_178 = arith.cmpi ne, %convert_element_type3A_176, %cond3A_177 : i32
      scf.if %cond3A_178 {
        %and3A_179 = arith.constant -16 : i32
        %and3A_180 = arith.andi %squeeze3A_170, %and3A_179 : i32
        %get3A_181 = arith.index_cast %and3A_180 : i32 to index
        %get3A_182 = tpu.vector_load %arg6[%get3A_181] {strides = array<i32>} : memref<8192xi32, #tpu.memory_space<vmem>>, vector<16xi32>,
        %get3A_183 = vector.shape_cast %get3A_182 : vector<16xi32> to vector<16xi32>
        %and3A_184 = arith.constant 15 : i32
        %and3A_185 = arith.andi %squeeze3A_170, %and3A_184 : i32
        %eq3A = vector.broadcast %and3A_185 : i32 to vector<16xi32>
        %eq3A_186 = arith.cmpi eq, %iota3A, %eq3A : vector<16xi32>
        %mul3A_187 = arith.constant 16 : i32
        %mul3A_188 = arith.muli %scan3A_20, %mul3A_187 : i32
        %add3A_189 = arith.constant 15 : i32
        %add3A_190 = arith.addi %mul3A_188, %add3A_189 : i32
        %broadcast_in_dim3A = vector.broadcast %add3A_190 : i32 to vector<16xi32>
        %select_n3A = arith.select %eq3A_186, %broadcast_in_dim3A, %get3A_183 : vector<16xi1>, vector<16xi32>
        %swap3A = arith.index_cast %and3A_180 : i32 to index
        %swap3A_191 = tpu.vector_load %arg6[%swap3A] {strides = array<i32>} : memref<8192xi32, #tpu.memory_space<vmem>>, vector<16xi32>,
        %swap3A_192 = vector.shape_cast %swap3A_191 : vector<16xi32> to vector<16xi32>
        %swap3A_193 = vector.shape_cast %select_n3A : vector<16xi32> to vector<16xi32>
        tpu.vector_store %arg6[%swap3A], %swap3A_193 {strides = array<i32>} : memref<8192xi32, #tpu.memory_space<vmem>>, vector<16xi32>,
      } else {
      }
    }
    %scan3A_13 = arith.constant 1250 : i32
    %scan3A_14 = arith.constant 0 : i32
    %scan3A_15 = arith.constant 0 : i32
    %scan3A_16 = arith.constant 16 : i32
    %scan3A_17 = arith.addi %scan3A_15, %scan3A_16 : i32
    %scan3A_18 = arith.constant 1 : i32
    scf.for %scan3A_20 = %scan3A_15 to %scan3A_17 step %scan3A_18  : i32 {
      %mul3A_21 = arith.constant 2 : i32
      %mul3A_22 = arith.muli %mul3A_21, %scan3A_20 : i32
      %mul3A_23 = arith.constant 256 : i32
      %mul3A_24 = arith.muli %mul3A_22, %mul3A_23 : i32
      %add3A_25 = arith.constant 256 : i32
      %add3A_26 = arith.addi %mul3A_24, %add3A_25 : i32
      %dma_start3A = tpu.memref_slice %arg6[%mul3A_24] : memref<8192xi32, #tpu.memory_space<vmem>> -> memref<256xi32, #tpu.memory_space<vmem>>
      %dma_start3A_27 = arith.constant 0 : i32
      %dma_start3A_28 = arith.constant 0 : i32
      %dma_start3A_29 = tpu.memref_slice %arg3[%dma_start3A_27, %dma_start3A_28] : memref<22048x128xf32, #tpu.memory_space<hbm>> -> memref<22048x128xf32, #tpu.memory_space<hbm>>
      tpu.enqueue_indirect_dma source(%dma_start3A_29 : memref<22048x128xf32, #tpu.memory_space<hbm>>) target(%arg7 : memref<256x128xf32, #tpu.memory_space<vmem>>) offsets(%dma_start3A : memref<256xi32, #tpu.memory_space<vmem>>) semaphore(%arg9 : memref<!tpu.dma_semaphore, #tpu.memory_space<semaphore_mem>>)
      %dma_start3A_30 = tpu.memref_slice %arg6[%add3A_26] : memref<8192xi32, #tpu.memory_space<vmem>> -> memref<256xi32, #tpu.memory_space<vmem>>
      %dma_start3A_31 = arith.constant 0 : i32
      %dma_start3A_32 = arith.constant 0 : i32
      %dma_start3A_33 = tpu.memref_slice %arg3[%dma_start3A_31, %dma_start3A_32] : memref<22048x128xf32, #tpu.memory_space<hbm>> -> memref<22048x128xf32, #tpu.memory_space<hbm>>
      tpu.enqueue_indirect_dma source(%dma_start3A_33 : memref<22048x128xf32, #tpu.memory_space<hbm>>) target(%arg8 : memref<256x128xf32, #tpu.memory_space<vmem>>) offsets(%dma_start3A_30 : memref<256xi32, #tpu.memory_space<vmem>>) semaphore(%arg10 : memref<!tpu.dma_semaphore, #tpu.memory_space<semaphore_mem>>)
      %dma_wait3A = tpu.memref_slice %arg6[%mul3A_24] : memref<8192xi32, #tpu.memory_space<vmem>> -> memref<256xi32, #tpu.memory_space<vmem>>
      %dma_wait3A_34 = arith.constant 0 : i32
      %dma_wait3A_35 = arith.constant 0 : i32
      %dma_wait3A_36 = tpu.memref_slice %arg3[%dma_wait3A_34, %dma_wait3A_35] : memref<22048x128xf32, #tpu.memory_space<hbm>> -> memref<22048x128xf32, #tpu.memory_space<hbm>>
      tpu.wait_indirect_dma semaphore(%arg9 : memref<!tpu.dma_semaphore, #tpu.memory_space<semaphore_mem>>) src(%dma_wait3A_36 : memref<22048x128xf32, #tpu.memory_space<hbm>>) dst(%arg7 : memref<256x128xf32, #tpu.memory_space<vmem>>)
      %add3A_37 = arith.addi %mul3A_2, %mul3A_24 : i32
      %dma_start3A_38 = arith.constant 0 : i32
      %dma_start3A_39 = tpu.memref_slice %arg4[%add3A_37, %dma_start3A_38] : memref<262144x128xf32, #tpu.memory_space<hbm>> -> memref<256x128xf32, #tpu.memory_space<hbm>>
      %dma_start3A_40 = arith.constant 0 : i32
      %dma_start3A_41 = tpu.memref_slice %arg4[%add3A_37, %dma_start3A_40] : memref<262144x128xf32, #tpu.memory_space<hbm>> -> memref<256x128xf32, #tpu.memory_space<hbm>>
      tpu.enqueue_dma source(%arg7 : memref<256x128xf32, #tpu.memory_space<vmem>>) target(%dma_start3A_41 : memref<256x128xf32, #tpu.memory_space<hbm>>) target_semaphore(%arg11 : memref<!tpu.dma_semaphore, #tpu.memory_space<semaphore_mem>>)
      %dma_wait3A_42 = tpu.memref_slice %arg6[%add3A_26] : memref<8192xi32, #tpu.memory_space<vmem>> -> memref<256xi32, #tpu.memory_space<vmem>>
      %dma_wait3A_43 = arith.constant 0 : i32
      %dma_wait3A_44 = arith.constant 0 : i32
      %dma_wait3A_45 = tpu.memref_slice %arg3[%dma_wait3A_43, %dma_wait3A_44] : memref<22048x128xf32, #tpu.memory_space<hbm>> -> memref<22048x128xf32, #tpu.memory_space<hbm>>
      tpu.wait_indirect_dma semaphore(%arg10 : memref<!tpu.dma_semaphore, #tpu.memory_space<semaphore_mem>>) src(%dma_wait3A_45 : memref<22048x128xf32, #tpu.memory_space<hbm>>) dst(%arg8 : memref<256x128xf32, #tpu.memory_space<vmem>>)
      %add3A_46 = arith.addi %mul3A_2, %add3A_26 : i32
      %dma_start3A_47 = arith.constant 0 : i32
      %dma_start3A_48 = tpu.memref_slice %arg4[%add3A_46, %dma_start3A_47] : memref<262144x128xf32, #tpu.memory_space<hbm>> -> memref<256x128xf32, #tpu.memory_space<hbm>>
      %dma_start3A_49 = arith.constant 0 : i32
      %dma_start3A_50 = tpu.memref_slice %arg4[%add3A_46, %dma_start3A_49] : memref<262144x128xf32, #tpu.memory_space<hbm>> -> memref<256x128xf32, #tpu.memory_space<hbm>>
      tpu.enqueue_dma source(%arg8 : memref<256x128xf32, #tpu.memory_space<vmem>>) target(%dma_start3A_50 : memref<256x128xf32, #tpu.memory_space<hbm>>) target_semaphore(%arg12 : memref<!tpu.dma_semaphore, #tpu.memory_space<semaphore_mem>>)
      %dma_wait3A_51 = arith.constant 0 : i32
      %dma_wait3A_52 = tpu.memref_slice %arg4[%add3A_37, %dma_wait3A_51] : memref<262144x128xf32, #tpu.memory_space<hbm>> -> memref<256x128xf32, #tpu.memory_space<hbm>>
      %dma_wait3A_53 = arith.constant 0 : i32
      %dma_wait3A_54 = tpu.memref_slice %arg4[%add3A_37, %dma_wait3A_53] : memref<262144x128xf32, #tpu.memory_space<hbm>> -> memref<256x128xf32, #tpu.memory_space<hbm>>
      tpu.wait_dma2 semaphore(%arg11 : memref<!tpu.dma_semaphore, #tpu.memory_space<semaphore_mem>>) src(%arg7 : memref<256x128xf32, #tpu.memory_space<vmem>>) dst(%dma_wait3A_54 : memref<256x128xf32, #tpu.memory_space<hbm>>)
      %dma_wait3A_55 = arith.constant 0 : i32
      %dma_wait3A_56 = tpu.memref_slice %arg4[%add3A_46, %dma_wait3A_55] : memref<262144x128xf32, #tpu.memory_space<hbm>> -> memref<256x128xf32, #tpu.memory_space<hbm>>
      %dma_wait3A_57 = arith.constant 0 : i32
      %dma_wait3A_58 = tpu.memref_slice %arg4[%add3A_46, %dma_wait3A_57] : memref<262144x128xf32, #tpu.memory_space<hbm>> -> memref<256x128xf32, #tpu.memory_space<hbm>>
      tpu.wait_dma2 semaphore(%arg12 : memref<!tpu.dma_semaphore, #tpu.memory_space<semaphore_mem>>) src(%arg8 : memref<256x128xf32, #tpu.memory_space<vmem>>) dst(%dma_wait3A_58 : memref<256x128xf32, #tpu.memory_space<hbm>>)
    }
    %scan3A_19 = arith.constant 16 : i32
    return
  }
}

#map = affine_map<(d0, d1) -> (0, 0)>
#map1 = affine_map<(d0, d1) -> (0)>
module attributes {stable_mosaic.version = 14 : i64} {
  func.func @k(%arg0: i32, %arg1: i32, %arg2: memref<100000x128xf32, #tpu.memory_space<hbm>>, %arg3: memref<320000xi32, #tpu.memory_space<hbm>>, %arg4: memref<320000x128xf32, #tpu.memory_space<hbm>>, %arg5: memref<10000xi32, #tpu.memory_space<vmem>>, %arg6: memref<400x128xf32, #tpu.memory_space<vmem>>, %arg7: memref<400x128xf32, #tpu.memory_space<vmem>>, %arg8: memref<!tpu.dma_semaphore, #tpu.memory_space<semaphore_mem>>, %arg9: memref<!tpu.dma_semaphore, #tpu.memory_space<semaphore_mem>>, %arg10: memref<!tpu.dma_semaphore, #tpu.memory_space<semaphore_mem>>, %arg11: memref<!tpu.dma_semaphore, #tpu.memory_space<semaphore_mem>>) attributes {dimension_semantics = [#tpu.dimension_semantics<core_parallel>, #tpu.dimension_semantics<subcore_parallel>], iteration_bounds = array<i64: 2, 16>, scalar_prefetch = 0 : i64, scratch_operands = 7 : i64, tpu.core_type = #tpu.core_type<sc_vector_subcore>, window_params = [{transform_indices = #map}, {transform_indices = #map1}, {transform_indices = #map}]} {
    %mul3A = arith.constant 2 : i32
    %mul3A_0 = arith.muli %arg1, %mul3A : i32
    %add3A = arith.addi %mul3A_0, %arg0 : i32
    %mul3A_1 = arith.constant 10000 : i32
    %mul3A_2 = arith.muli %add3A, %mul3A_1 : i32
    "tpu.region"() ({
      %run_scoped3A = tpu.sem_alloc : memref<!tpu.dma_semaphore, #tpu.memory_space<semaphore_mem>>
      %dma_start3A_24 = tpu.memref_slice %arg3[%mul3A_2] : memref<320000xi32, #tpu.memory_space<hbm>> -> memref<10000xi32, #tpu.memory_space<hbm>>
      %dma_start3A_25 = tpu.memref_slice %arg3[%mul3A_2] : memref<320000xi32, #tpu.memory_space<hbm>> -> memref<10000xi32, #tpu.memory_space<hbm>>
      tpu.enqueue_dma source(%dma_start3A_25 : memref<10000xi32, #tpu.memory_space<hbm>>) target(%arg5 : memref<10000xi32, #tpu.memory_space<vmem>>) target_semaphore(%run_scoped3A : memref<!tpu.dma_semaphore, #tpu.memory_space<semaphore_mem>>)
      %dma_wait3A_26 = tpu.memref_slice %arg3[%mul3A_2] : memref<320000xi32, #tpu.memory_space<hbm>> -> memref<10000xi32, #tpu.memory_space<hbm>>
      %dma_wait3A_27 = tpu.memref_slice %arg3[%mul3A_2] : memref<320000xi32, #tpu.memory_space<hbm>> -> memref<10000xi32, #tpu.memory_space<hbm>>
      tpu.wait_dma2 semaphore(%run_scoped3A : memref<!tpu.dma_semaphore, #tpu.memory_space<semaphore_mem>>) src(%dma_wait3A_27 : memref<10000xi32, #tpu.memory_space<hbm>>) dst(%arg5 : memref<10000xi32, #tpu.memory_space<vmem>>)
      tpu.yield
    }) : () -> ()
    %scan3A = arith.constant 0 : i32
    %scan3A_3 = arith.constant 0 : i32
    %scan3A_4 = arith.constant 12 : i32
    %scan3A_5 = arith.addi %scan3A_3, %scan3A_4 : i32
    %scan3A_6 = arith.constant 1 : i32
    scf.for %scan3A_24 = %scan3A_3 to %scan3A_5 step %scan3A_6  : i32 {
      %mul3A_25 = arith.constant 2 : i32
      %mul3A_26 = arith.muli %mul3A_25, %scan3A_24 : i32
      %mul3A_27 = arith.constant 400 : i32
      %mul3A_28 = arith.muli %mul3A_26, %mul3A_27 : i32
      %add3A_29 = arith.addi %mul3A_2, %mul3A_28 : i32
      %add3A_30 = arith.constant 400 : i32
      %add3A_31 = arith.addi %add3A_29, %add3A_30 : i32
      %mul3A_32 = arith.constant 2 : i32
      %mul3A_33 = arith.muli %mul3A_32, %scan3A_24 : i32
      %mul3A_34 = arith.constant 400 : i32
      %mul3A_35 = arith.muli %mul3A_33, %mul3A_34 : i32
      %dma_start3A_36 = tpu.memref_slice %arg5[%mul3A_35] : memref<10000xi32, #tpu.memory_space<vmem>> -> memref<400xi32, #tpu.memory_space<vmem>>
      %dma_start3A_37 = arith.constant 0 : i32
      %dma_start3A_38 = arith.constant 0 : i32
      %dma_start3A_39 = tpu.memref_slice %arg2[%dma_start3A_37, %dma_start3A_38] : memref<100000x128xf32, #tpu.memory_space<hbm>> -> memref<100000x128xf32, #tpu.memory_space<hbm>>
      tpu.enqueue_indirect_dma source(%dma_start3A_39 : memref<100000x128xf32, #tpu.memory_space<hbm>>) target(%arg6 : memref<400x128xf32, #tpu.memory_space<vmem>>) offsets(%dma_start3A_36 : memref<400xi32, #tpu.memory_space<vmem>>) semaphore(%arg8 : memref<!tpu.dma_semaphore, #tpu.memory_space<semaphore_mem>>)
      %mul3A_40 = arith.constant 2 : i32
      %mul3A_41 = arith.muli %mul3A_40, %scan3A_24 : i32
      %add3A_42 = arith.constant 1 : i32
      %add3A_43 = arith.addi %mul3A_41, %add3A_42 : i32
      %mul3A_44 = arith.constant 400 : i32
      %mul3A_45 = arith.muli %add3A_43, %mul3A_44 : i32
      %dma_start3A_46 = tpu.memref_slice %arg5[%mul3A_45] : memref<10000xi32, #tpu.memory_space<vmem>> -> memref<400xi32, #tpu.memory_space<vmem>>
      %dma_start3A_47 = arith.constant 0 : i32
      %dma_start3A_48 = arith.constant 0 : i32
      %dma_start3A_49 = tpu.memref_slice %arg2[%dma_start3A_47, %dma_start3A_48] : memref<100000x128xf32, #tpu.memory_space<hbm>> -> memref<100000x128xf32, #tpu.memory_space<hbm>>
      tpu.enqueue_indirect_dma source(%dma_start3A_49 : memref<100000x128xf32, #tpu.memory_space<hbm>>) target(%arg7 : memref<400x128xf32, #tpu.memory_space<vmem>>) offsets(%dma_start3A_46 : memref<400xi32, #tpu.memory_space<vmem>>) semaphore(%arg9 : memref<!tpu.dma_semaphore, #tpu.memory_space<semaphore_mem>>)
      %dma_wait3A_50 = tpu.memref_slice %arg5[%mul3A_35] : memref<10000xi32, #tpu.memory_space<vmem>> -> memref<400xi32, #tpu.memory_space<vmem>>
      %dma_wait3A_51 = arith.constant 0 : i32
      %dma_wait3A_52 = arith.constant 0 : i32
      %dma_wait3A_53 = tpu.memref_slice %arg2[%dma_wait3A_51, %dma_wait3A_52] : memref<100000x128xf32, #tpu.memory_space<hbm>> -> memref<100000x128xf32, #tpu.memory_space<hbm>>
      tpu.wait_indirect_dma semaphore(%arg8 : memref<!tpu.dma_semaphore, #tpu.memory_space<semaphore_mem>>) src(%dma_wait3A_53 : memref<100000x128xf32, #tpu.memory_space<hbm>>) dst(%arg6 : memref<400x128xf32, #tpu.memory_space<vmem>>)
      %dma_start3A_54 = arith.constant 0 : i32
      %dma_start3A_55 = tpu.memref_slice %arg4[%add3A_29, %dma_start3A_54] : memref<320000x128xf32, #tpu.memory_space<hbm>> -> memref<400x128xf32, #tpu.memory_space<hbm>>
      %dma_start3A_56 = arith.constant 0 : i32
      %dma_start3A_57 = tpu.memref_slice %arg4[%add3A_29, %dma_start3A_56] : memref<320000x128xf32, #tpu.memory_space<hbm>> -> memref<400x128xf32, #tpu.memory_space<hbm>>
      tpu.enqueue_dma source(%arg6 : memref<400x128xf32, #tpu.memory_space<vmem>>) target(%dma_start3A_57 : memref<400x128xf32, #tpu.memory_space<hbm>>) target_semaphore(%arg10 : memref<!tpu.dma_semaphore, #tpu.memory_space<semaphore_mem>>)
      %dma_wait3A_58 = tpu.memref_slice %arg5[%mul3A_45] : memref<10000xi32, #tpu.memory_space<vmem>> -> memref<400xi32, #tpu.memory_space<vmem>>
      %dma_wait3A_59 = arith.constant 0 : i32
      %dma_wait3A_60 = arith.constant 0 : i32
      %dma_wait3A_61 = tpu.memref_slice %arg2[%dma_wait3A_59, %dma_wait3A_60] : memref<100000x128xf32, #tpu.memory_space<hbm>> -> memref<100000x128xf32, #tpu.memory_space<hbm>>
      tpu.wait_indirect_dma semaphore(%arg9 : memref<!tpu.dma_semaphore, #tpu.memory_space<semaphore_mem>>) src(%dma_wait3A_61 : memref<100000x128xf32, #tpu.memory_space<hbm>>) dst(%arg7 : memref<400x128xf32, #tpu.memory_space<vmem>>)
      %dma_start3A_62 = arith.constant 0 : i32
      %dma_start3A_63 = tpu.memref_slice %arg4[%add3A_31, %dma_start3A_62] : memref<320000x128xf32, #tpu.memory_space<hbm>> -> memref<400x128xf32, #tpu.memory_space<hbm>>
      %dma_start3A_64 = arith.constant 0 : i32
      %dma_start3A_65 = tpu.memref_slice %arg4[%add3A_31, %dma_start3A_64] : memref<320000x128xf32, #tpu.memory_space<hbm>> -> memref<400x128xf32, #tpu.memory_space<hbm>>
      tpu.enqueue_dma source(%arg7 : memref<400x128xf32, #tpu.memory_space<vmem>>) target(%dma_start3A_65 : memref<400x128xf32, #tpu.memory_space<hbm>>) target_semaphore(%arg11 : memref<!tpu.dma_semaphore, #tpu.memory_space<semaphore_mem>>)
      %dma_wait3A_66 = arith.constant 0 : i32
      %dma_wait3A_67 = tpu.memref_slice %arg4[%add3A_29, %dma_wait3A_66] : memref<320000x128xf32, #tpu.memory_space<hbm>> -> memref<400x128xf32, #tpu.memory_space<hbm>>
      %dma_wait3A_68 = arith.constant 0 : i32
      %dma_wait3A_69 = tpu.memref_slice %arg4[%add3A_29, %dma_wait3A_68] : memref<320000x128xf32, #tpu.memory_space<hbm>> -> memref<400x128xf32, #tpu.memory_space<hbm>>
      tpu.wait_dma2 semaphore(%arg10 : memref<!tpu.dma_semaphore, #tpu.memory_space<semaphore_mem>>) src(%arg6 : memref<400x128xf32, #tpu.memory_space<vmem>>) dst(%dma_wait3A_69 : memref<400x128xf32, #tpu.memory_space<hbm>>)
      %dma_wait3A_70 = arith.constant 0 : i32
      %dma_wait3A_71 = tpu.memref_slice %arg4[%add3A_31, %dma_wait3A_70] : memref<320000x128xf32, #tpu.memory_space<hbm>> -> memref<400x128xf32, #tpu.memory_space<hbm>>
      %dma_wait3A_72 = arith.constant 0 : i32
      %dma_wait3A_73 = tpu.memref_slice %arg4[%add3A_31, %dma_wait3A_72] : memref<320000x128xf32, #tpu.memory_space<hbm>> -> memref<400x128xf32, #tpu.memory_space<hbm>>
      tpu.wait_dma2 semaphore(%arg11 : memref<!tpu.dma_semaphore, #tpu.memory_space<semaphore_mem>>) src(%arg7 : memref<400x128xf32, #tpu.memory_space<vmem>>) dst(%dma_wait3A_73 : memref<400x128xf32, #tpu.memory_space<hbm>>)
    }
    %scan3A_7 = arith.constant 12 : i32
    %dma_start3A = arith.constant 0 : i32
    %dma_start3A_8 = arith.constant 0 : i32
    %dma_start3A_9 = tpu.memref_slice %arg6[%dma_start3A, %dma_start3A_8] : memref<400x128xf32, #tpu.memory_space<vmem>> -> memref<400x128xf32, #tpu.memory_space<vmem>>
    %dma_start3A_10 = arith.constant 9600 : i32
    %dma_start3A_11 = tpu.memref_slice %arg5[%dma_start3A_10] : memref<10000xi32, #tpu.memory_space<vmem>> -> memref<400xi32, #tpu.memory_space<vmem>>
    %dma_start3A_12 = arith.constant 0 : i32
    %dma_start3A_13 = arith.constant 0 : i32
    %dma_start3A_14 = tpu.memref_slice %arg2[%dma_start3A_12, %dma_start3A_13] : memref<100000x128xf32, #tpu.memory_space<hbm>> -> memref<100000x128xf32, #tpu.memory_space<hbm>>
    tpu.enqueue_indirect_dma source(%dma_start3A_14 : memref<100000x128xf32, #tpu.memory_space<hbm>>) target(%dma_start3A_9 : memref<400x128xf32, #tpu.memory_space<vmem>>) offsets(%dma_start3A_11 : memref<400xi32, #tpu.memory_space<vmem>>) semaphore(%arg8 : memref<!tpu.dma_semaphore, #tpu.memory_space<semaphore_mem>>)
    %dma_wait3A = arith.constant 0 : i32
    %dma_wait3A_15 = arith.constant 0 : i32
    %dma_wait3A_16 = tpu.memref_slice %arg6[%dma_wait3A, %dma_wait3A_15] : memref<400x128xf32, #tpu.memory_space<vmem>> -> memref<400x128xf32, #tpu.memory_space<vmem>>
    %dma_wait3A_17 = arith.constant 9600 : i32
    %dma_wait3A_18 = tpu.memref_slice %arg5[%dma_wait3A_17] : memref<10000xi32, #tpu.memory_space<vmem>> -> memref<400xi32, #tpu.memory_space<vmem>>
    %dma_wait3A_19 = arith.constant 0 : i32
    %dma_wait3A_20 = arith.constant 0 : i32
    %dma_wait3A_21 = tpu.memref_slice %arg2[%dma_wait3A_19, %dma_wait3A_20] : memref<100000x128xf32, #tpu.memory_space<hbm>> -> memref<100000x128xf32, #tpu.memory_space<hbm>>
    tpu.wait_indirect_dma semaphore(%arg8 : memref<!tpu.dma_semaphore, #tpu.memory_space<semaphore_mem>>) src(%dma_wait3A_21 : memref<100000x128xf32, #tpu.memory_space<hbm>>) dst(%dma_wait3A_16 : memref<400x128xf32, #tpu.memory_space<vmem>>)
    %add3A_22 = arith.constant 9600 : i32
    %add3A_23 = arith.addi %mul3A_2, %add3A_22 : i32
    "tpu.region"() ({
      %run_scoped3A = tpu.sem_alloc : memref<!tpu.dma_semaphore, #tpu.memory_space<semaphore_mem>>
      %dma_start3A_24 = arith.constant 0 : i32
      %dma_start3A_25 = arith.constant 0 : i32
      %dma_start3A_26 = tpu.memref_slice %arg6[%dma_start3A_24, %dma_start3A_25] : memref<400x128xf32, #tpu.memory_space<vmem>> -> memref<400x128xf32, #tpu.memory_space<vmem>>
      %dma_start3A_27 = arith.constant 0 : i32
      %dma_start3A_28 = tpu.memref_slice %arg4[%add3A_23, %dma_start3A_27] : memref<320000x128xf32, #tpu.memory_space<hbm>> -> memref<400x128xf32, #tpu.memory_space<hbm>>
      %dma_start3A_29 = arith.constant 0 : i32
      %dma_start3A_30 = tpu.memref_slice %arg4[%add3A_23, %dma_start3A_29] : memref<320000x128xf32, #tpu.memory_space<hbm>> -> memref<400x128xf32, #tpu.memory_space<hbm>>
      %dma_start3A_31 = arith.constant 0 : i32
      %dma_start3A_32 = arith.constant 0 : i32
      %dma_start3A_33 = tpu.memref_slice %arg6[%dma_start3A_31, %dma_start3A_32] : memref<400x128xf32, #tpu.memory_space<vmem>> -> memref<400x128xf32, #tpu.memory_space<vmem>>
      tpu.enqueue_dma source(%dma_start3A_33 : memref<400x128xf32, #tpu.memory_space<vmem>>) target(%dma_start3A_30 : memref<400x128xf32, #tpu.memory_space<hbm>>) target_semaphore(%run_scoped3A : memref<!tpu.dma_semaphore, #tpu.memory_space<semaphore_mem>>)
      %dma_wait3A_34 = arith.constant 0 : i32
      %dma_wait3A_35 = arith.constant 0 : i32
      %dma_wait3A_36 = tpu.memref_slice %arg6[%dma_wait3A_34, %dma_wait3A_35] : memref<400x128xf32, #tpu.memory_space<vmem>> -> memref<400x128xf32, #tpu.memory_space<vmem>>
      %dma_wait3A_37 = arith.constant 0 : i32
      %dma_wait3A_38 = tpu.memref_slice %arg4[%add3A_23, %dma_wait3A_37] : memref<320000x128xf32, #tpu.memory_space<hbm>> -> memref<400x128xf32, #tpu.memory_space<hbm>>
      %dma_wait3A_39 = arith.constant 0 : i32
      %dma_wait3A_40 = tpu.memref_slice %arg4[%add3A_23, %dma_wait3A_39] : memref<320000x128xf32, #tpu.memory_space<hbm>> -> memref<400x128xf32, #tpu.memory_space<hbm>>
      %dma_wait3A_41 = arith.constant 0 : i32
      %dma_wait3A_42 = arith.constant 0 : i32
      %dma_wait3A_43 = tpu.memref_slice %arg6[%dma_wait3A_41, %dma_wait3A_42] : memref<400x128xf32, #tpu.memory_space<vmem>> -> memref<400x128xf32, #tpu.memory_space<vmem>>
      tpu.wait_dma2 semaphore(%run_scoped3A : memref<!tpu.dma_semaphore, #tpu.memory_space<semaphore_mem>>) src(%dma_wait3A_43 : memref<400x128xf32, #tpu.memory_space<vmem>>) dst(%dma_wait3A_40 : memref<400x128xf32, #tpu.memory_space<hbm>>)
      tpu.yield
    }) : () -> ()
    return
  }
}

module attributes {stable_mosaic.version = 14 : i64} {
  func.func @_table_kernel(%arg0: i32, %arg1: memref<4000x64xf32, #tpu.memory_space<vmem>>, %arg2: memref<4000x3xi32, #tpu.memory_space<vmem>>, %arg3: memref<4000x128xf32, #tpu.memory_space<vmem>>) attributes {dimension_semantics = [#tpu.dimension_semantics<arbitrary>], iteration_bounds = array<i64: 25>, scalar_prefetch = 0 : i64, scratch_operands = 0 : i64, tpu.core_type = #tpu.core_type<tc>, window_params = [{transform_indices = @transform_0, window_bounds = array<i64: 4000, 64>}, {transform_indices = @transform_1, window_bounds = array<i64: 4000, 3>}, {transform_indices = @transform_2, window_bounds = array<i64: 4000, 128>}]} {
    %get3A = arith.constant 0 : index
    %get3A_0 = arith.constant 0 : index
    %get3A_1 = vector.load %arg1[%get3A, %get3A_0] : memref<4000x64xf32, #tpu.memory_space<vmem>>, vector<4000x64xf32>
    %get3A_2 = arith.constant 0 : index
    %get3A_3 = arith.constant 0 : index
    %get3A_4 = vector.load %arg2[%get3A_2, %get3A_3] : memref<4000x3xi32, #tpu.memory_space<vmem>>, vector<4000x1xi32>
    %jit3A = arith.constant 40 : i32
    %eq3A = arith.constant 0 : i32
    %eq3A_5 = arith.cmpi eq, %jit3A, %eq3A : i32
    %jit3A_6 = arith.constant 1 : i32
    %select_n3A = arith.select %eq3A_5, %jit3A_6, %jit3A : i32
    %rem3A = vector.broadcast %select_n3A : i32 to vector<4000x1xi32>
    %rem3A_7 = arith.remsi %get3A_4, %rem3A : vector<4000x1xi32>
    %ne3A = arith.constant 0 : i32
    %ne3A_8 = vector.broadcast %ne3A : i32 to vector<4000x1xi32>
    %ne3A_9 = arith.cmpi ne, %rem3A_7, %ne3A_8 : vector<4000x1xi32>
    %lt3A = arith.constant 0 : i32
    %lt3A_10 = vector.broadcast %lt3A : i32 to vector<4000x1xi32>
    %lt3A_11 = arith.cmpi slt, %rem3A_7, %lt3A_10 : vector<4000x1xi32>
    %lt3A_12 = arith.constant 0 : i32
    %lt3A_13 = arith.cmpi slt, %select_n3A, %lt3A_12 : i32
    %ne3A_14 = vector.broadcast %lt3A_13 : i1 to vector<4000x1xi1>
    %ne3A_15 = vector.broadcast %ne3A_14 : vector<4000x1xi1> to vector<4000x1xi1>
    %ne3A_16 = arith.xori %lt3A_11, %ne3A_15 : vector<4000x1xi1>
    %and3A = arith.andi %ne3A_16, %ne3A_9 : vector<4000x1xi1>
    %add3A = vector.broadcast %select_n3A : i32 to vector<4000x1xi32>
    %add3A_17 = arith.addi %rem3A_7, %add3A : vector<4000x1xi32>
    %select_n3A_18 = arith.select %and3A, %add3A_17, %rem3A_7 : vector<4000x1xi1>, vector<4000x1xi32>
    %convert_element_type3A = arith.sitofp %select_n3A_18 : vector<4000x1xi32> to vector<4000x1xf32>
    %get3A_19 = arith.constant 0 : index
    %get3A_20 = arith.constant 1 : index
    %get3A_21 = vector.load %arg2[%get3A_19, %get3A_20] : memref<4000x3xi32, #tpu.memory_space<vmem>>, vector<4000x1xi32>
    %convert_element_type3A_22 = arith.sitofp %get3A_21 : vector<4000x1xi32> to vector<4000x1xf32>
    %get3A_23 = arith.constant 0 : index
    %get3A_24 = arith.constant 2 : index
    %get3A_25 = vector.load %arg2[%get3A_23, %get3A_24] : memref<4000x3xi32, #tpu.memory_space<vmem>>, vector<4000x1xi32>
    %convert_element_type3A_26 = arith.sitofp %get3A_25 : vector<4000x1xi32> to vector<4000x1xf32>
    %add3A_27 = arith.constant 5.000000e-01 : f32
    %add3A_28 = vector.broadcast %add3A_27 : f32 to vector<4000x1xf32>
    %add3A_29 = arith.addf %convert_element_type3A_26, %add3A_28 : vector<4000x1xf32>
    %mul3A = arith.constant 0.104444444 : f32
    %mul3A_30 = vector.broadcast %mul3A : f32 to vector<4000x1xf32>
    %mul3A_31 = arith.mulf %add3A_29, %mul3A_30 : vector<4000x1xf32>
    %add3A_32 = arith.constant -75.1999969 : f32
    %add3A_33 = vector.broadcast %add3A_32 : f32 to vector<4000x1xf32>
    %add3A_34 = arith.addf %mul3A_31, %add3A_33 : vector<4000x1xf32>
    %add3A_35 = arith.constant 5.000000e-01 : f32
    %add3A_36 = vector.broadcast %add3A_35 : f32 to vector<4000x1xf32>
    %add3A_37 = arith.addf %convert_element_type3A_22, %add3A_36 : vector<4000x1xf32>
    %mul3A_38 = arith.constant 0.104444444 : f32
    %mul3A_39 = vector.broadcast %mul3A_38 : f32 to vector<4000x1xf32>
    %mul3A_40 = arith.mulf %add3A_37, %mul3A_39 : vector<4000x1xf32>
    %add3A_41 = arith.constant -75.1999969 : f32
    %add3A_42 = vector.broadcast %add3A_41 : f32 to vector<4000x1xf32>
    %add3A_43 = arith.addf %mul3A_40, %add3A_42 : vector<4000x1xf32>
    %add3A_44 = arith.constant 5.000000e-01 : f32
    %add3A_45 = vector.broadcast %add3A_44 : f32 to vector<4000x1xf32>
    %add3A_46 = arith.addf %convert_element_type3A, %add3A_45 : vector<4000x1xf32>
    %mul3A_47 = arith.constant 1.500000e-01 : f32
    %mul3A_48 = vector.broadcast %mul3A_47 : f32 to vector<4000x1xf32>
    %mul3A_49 = arith.mulf %add3A_46, %mul3A_48 : vector<4000x1xf32>
    %add3A_50 = arith.constant -2.000000e+00 : f32
    %add3A_51 = vector.broadcast %add3A_50 : f32 to vector<4000x1xf32>
    %add3A_52 = arith.addf %mul3A_49, %add3A_51 : vector<4000x1xf32>
    %broadcast_in_dim3A = arith.constant 0.000000e+00 : f32
    %broadcast_in_dim3A_53 = vector.broadcast %broadcast_in_dim3A : f32 to vector<4000x61xf32>
    %concatenate3A = tpu.concatenate %get3A_1, %add3A_34, %add3A_43, %add3A_52, %broadcast_in_dim3A_53 in 1 : vector<4000x64xf32>, vector<4000x1xf32>, vector<4000x1xf32>, vector<4000x1xf32>, vector<4000x61xf32> -> vector<4000x128xf32>
    %swap3A = arith.constant 0 : index
    %swap3A_54 = arith.constant 0 : index
    %swap3A_55 = vector.load %arg3[%swap3A, %swap3A_54] : memref<4000x128xf32, #tpu.memory_space<vmem>>, vector<4000x128xf32>
    tpu.vector_store %arg3[%swap3A, %swap3A_54], %concatenate3A {strides = array<i32>} : memref<4000x128xf32, #tpu.memory_space<vmem>>, vector<4000x128xf32>,
    return
  }
  func.func @transform_0(%arg0: i32) -> (i32, i32) {
    %c0_i32 = arith.constant 0 : i32
    %c0_i32_0 = arith.constant 0 : i32
    return %arg0, %c0_i32 : i32, i32
  }
  func.func @transform_1(%arg0: i32) -> (i32, i32) {
    %c0_i32 = arith.constant 0 : i32
    %c0_i32_0 = arith.constant 0 : i32
    return %arg0, %c0_i32 : i32, i32
  }
  func.func @transform_2(%arg0: i32) -> (i32, i32) {
    %c0_i32 = arith.constant 0 : i32
    %c0_i32_0 = arith.constant 0 : i32
    return %arg0, %c0_i32 : i32, i32
  }
}

module attributes {stable_mosaic.version = 14 : i64} {
  func.func @_pfn_kernel(%arg0: i32, %arg1: memref<16x1000x128xf32, #tpu.memory_space<vmem>>, %arg2: memref<1000x2xi32, #tpu.memory_space<vmem>>, %arg3: memref<1x1x1000xi32, #tpu.memory_space<vmem>>, %arg4: memref<1x1x1000xi32, #tpu.memory_space<vmem>>, %arg5: memref<1x1x1000xi32, #tpu.memory_space<vmem>>, %arg6: memref<128x33xf32, #tpu.memory_space<vmem>>, %arg7: memref<3x33xf32, #tpu.memory_space<vmem>>, %arg8: memref<1x33xf32, #tpu.memory_space<vmem>>, %arg9: memref<33x128xf32, #tpu.memory_space<vmem>>, %arg10: memref<33x128xf32, #tpu.memory_space<vmem>>, %arg11: memref<1x128xf32, #tpu.memory_space<vmem>>, %arg12: memref<1000x128xf32, #tpu.memory_space<vmem>>, %arg13: memref<1x1x1000xi32, #tpu.memory_space<vmem>>) attributes {dimension_semantics = [#tpu.dimension_semantics<arbitrary>], iteration_bounds = array<i64: 23>, scalar_prefetch = 0 : i64, scratch_operands = 0 : i64, tpu.core_type = #tpu.core_type<tc>, window_params = [{transform_indices = @transform_0, window_bounds = array<i64: 16, 1000, 128>}, {transform_indices = @transform_1, window_bounds = array<i64: 1000, 2>}, {transform_indices = @transform_2, window_bounds = array<i64: 1, 1, 1000>}, {transform_indices = @transform_3, window_bounds = array<i64: 1, 1, 1000>}, {transform_indices = @transform_4, window_bounds = array<i64: 1, 1, 1000>}, {pipeline_mode = #tpu.pipeline_mode<synchronous>, transform_indices = @transform_5, window_bounds = array<i64: 128, 33>}, {pipeline_mode = #tpu.pipeline_mode<synchronous>, transform_indices = @transform_6, window_bounds = array<i64: 3, 33>}, {pipeline_mode = #tpu.pipeline_mode<synchronous>, transform_indices = @transform_7, window_bounds = array<i64: 1, 33>}, {pipeline_mode = #tpu.pipeline_mode<synchronous>, transform_indices = @transform_8, window_bounds = array<i64: 33, 128>}, {pipeline_mode = #tpu.pipeline_mode<synchronous>, transform_indices = @transform_9, window_bounds = array<i64: 33, 128>}, {pipeline_mode = #tpu.pipeline_mode<synchronous>, transform_indices = @transform_10, window_bounds = array<i64: 1, 128>}, {transform_indices = @transform_11, window_bounds = array<i64: 1000, 128>}, {transform_indices = @transform_12, window_bounds = array<i64: 1, 1, 1000>}]} {
    %get3A = arith.constant 0 : index
    %get3A_0 = arith.constant 0 : index
    %get3A_1 = arith.constant 0 : index
    %get3A_2 = vector.load %arg3[%get3A, %get3A_0, %get3A_1] : memref<1x1x1000xi32, #tpu.memory_space<vmem>>, vector<1x1x1000xi32>
    %get3A_3 = vector.shape_cast %get3A_2 : vector<1x1x1000xi32> to vector<1x1000xi32>
    %get3A_4 = arith.constant 0 : index
    %get3A_5 = arith.constant 0 : index
    %get3A_6 = arith.constant 0 : index
    %get3A_7 = vector.load %arg4[%get3A_4, %get3A_5, %get3A_6] : memref<1x1x1000xi32, #tpu.memory_space<vmem>>, vector<1x1x1000xi32>
    %get3A_8 = vector.shape_cast %get3A_7 : vector<1x1x1000xi32> to vector<1x1000xi32>
    %get3A_9 = arith.constant 0 : index
    %get3A_10 = arith.constant 0 : index
    %get3A_11 = arith.constant 0 : index
    %get3A_12 = vector.load %arg5[%get3A_9, %get3A_10, %get3A_11] : memref<1x1x1000xi32, #tpu.memory_space<vmem>>, vector<1x1x1000xi32>
    %get3A_13 = vector.shape_cast %get3A_12 : vector<1x1x1000xi32> to vector<1x1000xi32>
    %mul3A = arith.constant 360 : i32
    %mul3A_14 = vector.broadcast %mul3A : i32 to vector<1x1000xi32>
    %mul3A_15 = arith.muli %get3A_3, %mul3A_14 : vector<1x1000xi32>
    %add3A = arith.addi %mul3A_15, %get3A_8 : vector<1x1000xi32>
    %mul3A_16 = arith.constant 360 : i32
    %mul3A_17 = vector.broadcast %mul3A_16 : i32 to vector<1x1000xi32>
    %mul3A_18 = arith.muli %add3A, %mul3A_17 : vector<1x1000xi32>
    %add3A_19 = arith.addi %mul3A_18, %get3A_13 : vector<1x1000xi32>
    %swap3A = arith.constant 0 : index
    %swap3A_20 = arith.constant 0 : index
    %swap3A_21 = arith.constant 0 : index
    %swap3A_22 = vector.load %arg13[%swap3A, %swap3A_20, %swap3A_21] : memref<1x1x1000xi32, #tpu.memory_space<vmem>>, vector<1x1x1000xi32>
    %swap3A_23 = vector.shape_cast %swap3A_22 : vector<1x1x1000xi32> to vector<1x1000xi32>
    %swap3A_24 = vector.shape_cast %add3A_19 : vector<1x1000xi32> to vector<1x1x1000xi32>
    tpu.vector_store %arg13[%swap3A, %swap3A_20, %swap3A_21], %swap3A_24 {strides = array<i32>} : memref<1x1x1000xi32, #tpu.memory_space<vmem>>, vector<1x1x1000xi32>,
    %lt3A = arith.constant 20 : i32
    %lt3A_25 = arith.cmpi slt, %arg0, %lt3A : i32
    %convert_element_type3A = arith.extui %lt3A_25 : i1 to i32
    %cond3A = arith.constant 0 : i32
    %cond3A_26 = arith.cmpi ne, %convert_element_type3A, %cond3A : i32
    scf.if %cond3A_26 {
      %get3A_31 = arith.constant 0 : index
      %get3A_32 = arith.constant 1 : index
      %get3A_33 = vector.load %arg2[%get3A_31, %get3A_32] : memref<1000x2xi32, #tpu.memory_space<vmem>>, vector<1000x1xi32>
      %convert_element_type3A_34 = arith.sitofp %get3A_33 : vector<1000x1xi32> to vector<1000x1xf32>
      %add3A_35 = arith.constant 5.000000e-01 : f32
      %add3A_36 = vector.broadcast %add3A_35 : f32 to vector<1000x1xf32>
      %add3A_37 = arith.addf %convert_element_type3A_34, %add3A_36 : vector<1000x1xf32>
      %mul3A_38 = arith.constant 0.417777777 : f32
      %mul3A_39 = vector.broadcast %mul3A_38 : f32 to vector<1000x1xf32>
      %mul3A_40 = arith.mulf %add3A_37, %mul3A_39 : vector<1000x1xf32>
      %add3A_41 = arith.constant -75.1999969 : f32
      %add3A_42 = vector.broadcast %add3A_41 : f32 to vector<1000x1xf32>
      %add3A_43 = arith.addf %mul3A_40, %add3A_42 : vector<1000x1xf32>
      %get3A_44 = arith.constant 0 : index
      %get3A_45 = arith.constant 0 : index
      %get3A_46 = vector.load %arg2[%get3A_44, %get3A_45] : memref<1000x2xi32, #tpu.memory_space<vmem>>, vector<1000x1xi32>
      %convert_element_type3A_47 = arith.sitofp %get3A_46 : vector<1000x1xi32> to vector<1000x1xf32>
      %add3A_48 = arith.constant 5.000000e-01 : f32
      %add3A_49 = vector.broadcast %add3A_48 : f32 to vector<1000x1xf32>
      %add3A_50 = arith.addf %convert_element_type3A_47, %add3A_49 : vector<1000x1xf32>
      %mul3A_51 = arith.constant 0.417777777 : f32
      %mul3A_52 = vector.broadcast %mul3A_51 : f32 to vector<1000x1xf32>
      %mul3A_53 = arith.mulf %add3A_50, %mul3A_52 : vector<1000x1xf32>
      %add3A_54 = arith.constant -75.1999969 : f32
      %add3A_55 = vector.broadcast %add3A_54 : f32 to vector<1000x1xf32>
      %add3A_56 = arith.addf %mul3A_53, %add3A_55 : vector<1000x1xf32>
      %get3A_57 = arith.constant 0 : index
      %get3A_58 = arith.constant 0 : index
      %get3A_59 = vector.load %arg7[%get3A_57, %get3A_58] : memref<3x33xf32, #tpu.memory_space<vmem>>, vector<1x33xf32>
      %mul3A_60 = vector.broadcast %add3A_43 : vector<1000x1xf32> to vector<1000x33xf32>
      %mul3A_61 = vector.broadcast %get3A_59 : vector<1x33xf32> to vector<1000x33xf32>
      %mul3A_62 = arith.mulf %mul3A_60, %mul3A_61 : vector<1000x33xf32>
      %get3A_63 = arith.constant 1 : index
      %get3A_64 = arith.constant 0 : index
      %get3A_65 = vector.load %arg7[%get3A_63, %get3A_64] : memref<3x33xf32, #tpu.memory_space<vmem>>, vector<1x33xf32>
      %mul3A_66 = vector.broadcast %add3A_56 : vector<1000x1xf32> to vector<1000x33xf32>
      %mul3A_67 = vector.broadcast %get3A_65 : vector<1x33xf32> to vector<1000x33xf32>
      %mul3A_68 = arith.mulf %mul3A_66, %mul3A_67 : vector<1000x33xf32>
      %add3A_69 = arith.addf %mul3A_62, %mul3A_68 : vector<1000x33xf32>
      %get3A_70 = arith.constant 2 : index
      %get3A_71 = arith.constant 0 : index
      %get3A_72 = vector.load %arg7[%get3A_70, %get3A_71] : memref<3x33xf32, #tpu.memory_space<vmem>>, vector<1x33xf32>
      %mul3A_73 = arith.constant 1.000000e+00 : f32
      %mul3A_74 = vector.broadcast %mul3A_73 : f32 to vector<1x33xf32>
      %mul3A_75 = arith.mulf %mul3A_74, %get3A_72 : vector<1x33xf32>
      %get3A_76 = arith.constant 0 : index
      %get3A_77 = arith.constant 0 : index
      %get3A_78 = vector.load %arg8[%get3A_76, %get3A_77] : memref<1x33xf32, #tpu.memory_space<vmem>>, vector<1x33xf32>
      %sub3A = arith.subf %mul3A_75, %get3A_78 : vector<1x33xf32>
      %add3A_79 = vector.broadcast %sub3A : vector<1x33xf32> to vector<1000x33xf32>
      %add3A_80 = arith.addf %add3A_69, %add3A_79 : vector<1000x33xf32>
      %get3A_81 = arith.constant 0 : index
      %get3A_82 = arith.constant 0 : index
      %get3A_83 = arith.constant 0 : index
      %get3A_84 = vector.load %arg1[%get3A_81, %get3A_82, %get3A_83] : memref<16x1000x128xf32, #tpu.memory_space<vmem>>, vector<16x1000x128xf32>
      %reshape3A = vector.shape_cast %get3A_84 : vector<16x1000x128xf32> to vector<16000x128xf32>
      %get3A_85 = arith.constant 0 : index
      %get3A_86 = arith.constant 0 : index
      %get3A_87 = vector.load %arg6[%get3A_85, %get3A_86] : memref<128x33xf32, #tpu.memory_space<vmem>>, vector<128x33xf32>
      %dot_general3A = arith.constant dense<0.000000e+00> : vector<16000x33xf32>
      %dot_general3A_88 = tpu.matmul %reshape3A, %get3A_87, %dot_general3A {dimension_numbers = #tpu.dot_dimension_numbers<[1], [0], [0], [1], [0, 0, 1, 1], [], []>, transpose_lhs_hint = false} : vector<16000x128xf32>, vector<128x33xf32>, vector<16000x33xf32> -> vector<16000x33xf32>
      %reshape3A_89 = vector.shape_cast %dot_general3A_88 : vector<16000x33xf32> to vector<16x1000x33xf32>
      %broadcast_in_dim3A = vector.shape_cast %add3A_80 : vector<1000x33xf32> to vector<1x1000x33xf32>
      %sub3A_90 = vector.broadcast %broadcast_in_dim3A : vector<1x1000x33xf32> to vector<16x1000x33xf32>
      %sub3A_91 = arith.subf %reshape3A_89, %sub3A_90 : vector<16x1000x33xf32>
      %max3A = arith.constant 0.000000e+00 : f32
      %max3A_92 = vector.broadcast %max3A : f32 to vector<16x1000x33xf32>
      %max3A_93 = arith.maximumf %sub3A_91, %max3A_92 : vector<16x1000x33xf32>
      %reduce_max3A = arith.constant dense<0xFF800000> : vector<1000x33xf32>
      %reduce_max3A_94 = vector.multi_reduction <maximumf>, %max3A_93, %reduce_max3A [0] : vector<16x1000x33xf32> to vector<1000x33xf32>
      %reshape3A_95 = vector.shape_cast %max3A_93 : vector<16x1000x33xf32> to vector<16000x33xf32>
      %get3A_96 = arith.constant 0 : index
      %get3A_97 = arith.constant 0 : index
      %get3A_98 = vector.load %arg9[%get3A_96, %get3A_97] : memref<33x128xf32, #tpu.memory_space<vmem>>, vector<33x128xf32>
      %dot_general3A_99 = arith.constant dense<0.000000e+00> : vector<16000x128xf32>
      %dot_general3A_100 = tpu.matmul %reshape3A_95, %get3A_98, %dot_general3A_99 {dimension_numbers = #tpu.dot_dimension_numbers<[1], [0], [0], [1], [0, 0, 1, 1], [], []>, transpose_lhs_hint = false} : vector<16000x33xf32>, vector<33x128xf32>, vector<16000x128xf32> -> vector<16000x128xf32>
      %get3A_101 = arith.constant 0 : index
      %get3A_102 = arith.constant 0 : index
      %get3A_103 = vector.load %arg10[%get3A_101, %get3A_102] : memref<33x128xf32, #tpu.memory_space<vmem>>, vector<33x128xf32>
      %dot_general3A_104 = arith.constant dense<0.000000e+00> : vector<1000x128xf32>
      %dot_general3A_105 = tpu.matmul %reduce_max3A_94, %get3A_103, %dot_general3A_104 {dimension_numbers = #tpu.dot_dimension_numbers<[1], [0], [0], [1], [0, 0, 1, 1], [], []>, transpose_lhs_hint = false} : vector<1000x33xf32>, vector<33x128xf32>, vector<1000x128xf32> -> vector<1000x128xf32>
      %get3A_106 = arith.constant 0 : index
      %get3A_107 = arith.constant 0 : index
      %get3A_108 = vector.load %arg11[%get3A_106, %get3A_107] : memref<1x128xf32, #tpu.memory_space<vmem>>, vector<1x128xf32>
      %add3A_109 = vector.broadcast %get3A_108 : vector<1x128xf32> to vector<1000x128xf32>
      %add3A_110 = arith.addf %dot_general3A_105, %add3A_109 : vector<1000x128xf32>
      %reshape3A_111 = vector.shape_cast %dot_general3A_100 : vector<16000x128xf32> to vector<16x1000x128xf32>
      %broadcast_in_dim3A_112 = vector.shape_cast %add3A_110 : vector<1000x128xf32> to vector<1x1000x128xf32>
      %add3A_113 = vector.broadcast %broadcast_in_dim3A_112 : vector<1x1000x128xf32> to vector<16x1000x128xf32>
      %add3A_114 = arith.addf %reshape3A_111, %add3A_113 : vector<16x1000x128xf32>
      %max3A_115 = arith.constant 0.000000e+00 : f32
      %max3A_116 = vector.broadcast %max3A_115 : f32 to vector<16x1000x128xf32>
      %max3A_117 = arith.maximumf %add3A_114, %max3A_116 : vector<16x1000x128xf32>
      %reduce_max3A_118 = arith.constant dense<0xFF800000> : vector<1000x128xf32>
      %reduce_max3A_119 = vector.multi_reduction <maximumf>, %max3A_117, %reduce_max3A_118 [0] : vector<16x1000x128xf32> to vector<1000x128xf32>
      %swap3A_120 = arith.constant 0 : index
      %swap3A_121 = arith.constant 0 : index
      %swap3A_122 = vector.load %arg12[%swap3A_120, %swap3A_121] : memref<1000x128xf32, #tpu.memory_space<vmem>>, vector<1000x128xf32>
      tpu.vector_store %arg12[%swap3A_120, %swap3A_121], %reduce_max3A_119 {strides = array<i32>} : memref<1000x128xf32, #tpu.memory_space<vmem>>, vector<1000x128xf32>,
    } else {
    }
    %ge3A = arith.constant 20 : i32
    %ge3A_27 = arith.cmpi sge, %arg0, %ge3A : i32
    %convert_element_type3A_28 = arith.extui %ge3A_27 : i1 to i32
    %cond3A_29 = arith.constant 0 : i32
    %cond3A_30 = arith.cmpi ne, %convert_element_type3A_28, %cond3A_29 : i32
    scf.if %cond3A_30 {
      %broadcast_in_dim3A = arith.constant 0.000000e+00 : f32
      %broadcast_in_dim3A_31 = vector.broadcast %broadcast_in_dim3A : f32 to vector<1000x128xf32>
      %swap3A_32 = arith.constant 0 : index
      %swap3A_33 = arith.constant 0 : index
      %swap3A_34 = vector.load %arg12[%swap3A_32, %swap3A_33] : memref<1000x128xf32, #tpu.memory_space<vmem>>, vector<1000x128xf32>
      tpu.vector_store %arg12[%swap3A_32, %swap3A_33], %broadcast_in_dim3A_31 {strides = array<i32>} : memref<1000x128xf32, #tpu.memory_space<vmem>>, vector<1000x128xf32>,
    } else {
    }
    return
  }
  func.func @transform_0(%arg0: i32) -> (i32, i32, i32) {
    %min3A = arith.constant 19 : i32
    %min3A_0 = arith.minsi %arg0, %min3A : i32
    %c0_i32 = arith.constant 0 : i32
    %c0_i32_1 = arith.constant 0 : i32
    %c0_i32_2 = arith.constant 0 : i32
    return %c0_i32, %min3A_0, %c0_i32_1 : i32, i32, i32
  }
  func.func @transform_1(%arg0: i32) -> (i32, i32) {
    %min3A = arith.constant 19 : i32
    %min3A_0 = arith.minsi %arg0, %min3A : i32
    %c0_i32 = arith.constant 0 : i32
    %c0_i32_1 = arith.constant 0 : i32
    return %min3A_0, %c0_i32 : i32, i32
  }
  func.func @transform_2(%arg0: i32) -> (i32, i32, i32) {
    %min3A = arith.constant 22 : i32
    %min3A_0 = arith.minsi %arg0, %min3A : i32
    %c0_i32 = arith.constant 0 : i32
    %c0_i32_1 = arith.constant 0 : i32
    %c0_i32_2 = arith.constant 0 : i32
    return %min3A_0, %c0_i32, %c0_i32_1 : i32, i32, i32
  }
  func.func @transform_3(%arg0: i32) -> (i32, i32, i32) {
    %min3A = arith.constant 22 : i32
    %min3A_0 = arith.minsi %arg0, %min3A : i32
    %c0_i32 = arith.constant 0 : i32
    %c0_i32_1 = arith.constant 0 : i32
    %c0_i32_2 = arith.constant 0 : i32
    return %min3A_0, %c0_i32, %c0_i32_1 : i32, i32, i32
  }
  func.func @transform_4(%arg0: i32) -> (i32, i32, i32) {
    %min3A = arith.constant 22 : i32
    %min3A_0 = arith.minsi %arg0, %min3A : i32
    %c0_i32 = arith.constant 0 : i32
    %c0_i32_1 = arith.constant 0 : i32
    %c0_i32_2 = arith.constant 0 : i32
    return %min3A_0, %c0_i32, %c0_i32_1 : i32, i32, i32
  }
  func.func @transform_5(%arg0: i32) -> (i32, i32) {
    %c0_i32 = arith.constant 0 : i32
    %c0_i32_0 = arith.constant 0 : i32
    %c0_i32_1 = arith.constant 0 : i32
    return %c0_i32, %c0_i32_0 : i32, i32
  }
  func.func @transform_6(%arg0: i32) -> (i32, i32) {
    %c0_i32 = arith.constant 0 : i32
    %c0_i32_0 = arith.constant 0 : i32
    %c0_i32_1 = arith.constant 0 : i32
    return %c0_i32, %c0_i32_0 : i32, i32
  }
  func.func @transform_7(%arg0: i32) -> (i32, i32) {
    %c0_i32 = arith.constant 0 : i32
    %c0_i32_0 = arith.constant 0 : i32
    %c0_i32_1 = arith.constant 0 : i32
    return %c0_i32, %c0_i32_0 : i32, i32
  }
  func.func @transform_8(%arg0: i32) -> (i32, i32) {
    %c0_i32 = arith.constant 0 : i32
    %c0_i32_0 = arith.constant 0 : i32
    %c0_i32_1 = arith.constant 0 : i32
    return %c0_i32, %c0_i32_0 : i32, i32
  }
  func.func @transform_9(%arg0: i32) -> (i32, i32) {
    %c0_i32 = arith.constant 0 : i32
    %c0_i32_0 = arith.constant 0 : i32
    %c0_i32_1 = arith.constant 0 : i32
    return %c0_i32, %c0_i32_0 : i32, i32
  }
  func.func @transform_10(%arg0: i32) -> (i32, i32) {
    %c0_i32 = arith.constant 0 : i32
    %c0_i32_0 = arith.constant 0 : i32
    %c0_i32_1 = arith.constant 0 : i32
    return %c0_i32, %c0_i32_0 : i32, i32
  }
  func.func @transform_11(%arg0: i32) -> (i32, i32) {
    %c0_i32 = arith.constant 0 : i32
    %c0_i32_0 = arith.constant 0 : i32
    return %arg0, %c0_i32 : i32, i32
  }
  func.func @transform_12(%arg0: i32) -> (i32, i32, i32) {
    %c0_i32 = arith.constant 0 : i32
    %c0_i32_0 = arith.constant 0 : i32
    %c0_i32_1 = arith.constant 0 : i32
    return %arg0, %c0_i32, %c0_i32_0 : i32, i32, i32
  }
}

module attributes {stable_mosaic.version = 14 : i64} {
  func.func @_tr_kernel(%arg0: i32, %arg1: i32, %arg2: memref<2880x128xf32, #tpu.memory_space<vmem>>, %arg3: memref<1x128x8x360xf32, #tpu.memory_space<vmem>>) attributes {dimension_semantics = [#tpu.dimension_semantics<arbitrary>, #tpu.dimension_semantics<arbitrary>], iteration_bounds = array<i64: 2, 45>, scalar_prefetch = 0 : i64, scratch_operands = 0 : i64, tpu.core_type = #tpu.core_type<tc>, window_params = [{transform_indices = @transform_0, window_bounds = array<i64: 2880, 128>}, {transform_indices = @transform_1, window_bounds = array<i64: 1, 128, 8, 360>}]} {
    %get3A = arith.constant 0 : index
    %get3A_0 = arith.constant 0 : index
    %get3A_1 = vector.load %arg2[%get3A, %get3A_0] : memref<2880x128xf32, #tpu.memory_space<vmem>>, vector<360x128xf32>
    %transpose3A = tpu.transpose %get3A_1, [1, 0] : vector<360x128xf32> -> vector<128x360xf32>
    %swap3A = arith.constant 0 : index
    %swap3A_2 = arith.constant 0 : index
    %swap3A_3 = arith.constant 0 : index
    %swap3A_4 = arith.constant 0 : index
    %swap3A_5 = vector.load %arg3[%swap3A, %swap3A_2, %swap3A_3, %swap3A_4] : memref<1x128x8x360xf32, #tpu.memory_space<vmem>>, vector<1x128x1x360xf32>
    %swap3A_6 = vector.shape_cast %swap3A_5 : vector<1x128x1x360xf32> to vector<128x360xf32>
    %swap3A_7 = vector.shape_cast %transpose3A : vector<128x360xf32> to vector<1x128x1x360xf32>
    tpu.vector_store %arg3[%swap3A, %swap3A_2, %swap3A_3, %swap3A_4], %swap3A_7 {strides = array<i32>} : memref<1x128x8x360xf32, #tpu.memory_space<vmem>>, vector<1x128x1x360xf32>,
    %get3A_8 = arith.constant 360 : index
    %get3A_9 = arith.constant 0 : index
    %get3A_10 = vector.load %arg2[%get3A_8, %get3A_9] : memref<2880x128xf32, #tpu.memory_space<vmem>>, vector<360x128xf32>
    %transpose3A_11 = tpu.transpose %get3A_10, [1, 0] : vector<360x128xf32> -> vector<128x360xf32>
    %swap3A_12 = arith.constant 0 : index
    %swap3A_13 = arith.constant 0 : index
    %swap3A_14 = arith.constant 1 : index
    %swap3A_15 = arith.constant 0 : index
    %swap3A_16 = vector.load %arg3[%swap3A_12, %swap3A_13, %swap3A_14, %swap3A_15] : memref<1x128x8x360xf32, #tpu.memory_space<vmem>>, vector<1x128x1x360xf32>
    %swap3A_17 = vector.shape_cast %swap3A_16 : vector<1x128x1x360xf32> to vector<128x360xf32>
    %swap3A_18 = vector.shape_cast %transpose3A_11 : vector<128x360xf32> to vector<1x128x1x360xf32>
    tpu.vector_store %arg3[%swap3A_12, %swap3A_13, %swap3A_14, %swap3A_15], %swap3A_18 {strides = array<i32>} : memref<1x128x8x360xf32, #tpu.memory_space<vmem>>, vector<1x128x1x360xf32>,
    %get3A_19 = arith.constant 720 : index
    %get3A_20 = arith.constant 0 : index
    %get3A_21 = vector.load %arg2[%get3A_19, %get3A_20] : memref<2880x128xf32, #tpu.memory_space<vmem>>, vector<360x128xf32>
    %transpose3A_22 = tpu.transpose %get3A_21, [1, 0] : vector<360x128xf32> -> vector<128x360xf32>
    %swap3A_23 = arith.constant 0 : index
    %swap3A_24 = arith.constant 0 : index
    %swap3A_25 = arith.constant 2 : index
    %swap3A_26 = arith.constant 0 : index
    %swap3A_27 = vector.load %arg3[%swap3A_23, %swap3A_24, %swap3A_25, %swap3A_26] : memref<1x128x8x360xf32, #tpu.memory_space<vmem>>, vector<1x128x1x360xf32>
    %swap3A_28 = vector.shape_cast %swap3A_27 : vector<1x128x1x360xf32> to vector<128x360xf32>
    %swap3A_29 = vector.shape_cast %transpose3A_22 : vector<128x360xf32> to vector<1x128x1x360xf32>
    tpu.vector_store %arg3[%swap3A_23, %swap3A_24, %swap3A_25, %swap3A_26], %swap3A_29 {strides = array<i32>} : memref<1x128x8x360xf32, #tpu.memory_space<vmem>>, vector<1x128x1x360xf32>,
    %get3A_30 = arith.constant 1080 : index
    %get3A_31 = arith.constant 0 : index
    %get3A_32 = vector.load %arg2[%get3A_30, %get3A_31] : memref<2880x128xf32, #tpu.memory_space<vmem>>, vector<360x128xf32>
    %transpose3A_33 = tpu.transpose %get3A_32, [1, 0] : vector<360x128xf32> -> vector<128x360xf32>
    %swap3A_34 = arith.constant 0 : index
    %swap3A_35 = arith.constant 0 : index
    %swap3A_36 = arith.constant 3 : index
    %swap3A_37 = arith.constant 0 : index
    %swap3A_38 = vector.load %arg3[%swap3A_34, %swap3A_35, %swap3A_36, %swap3A_37] : memref<1x128x8x360xf32, #tpu.memory_space<vmem>>, vector<1x128x1x360xf32>
    %swap3A_39 = vector.shape_cast %swap3A_38 : vector<1x128x1x360xf32> to vector<128x360xf32>
    %swap3A_40 = vector.shape_cast %transpose3A_33 : vector<128x360xf32> to vector<1x128x1x360xf32>
    tpu.vector_store %arg3[%swap3A_34, %swap3A_35, %swap3A_36, %swap3A_37], %swap3A_40 {strides = array<i32>} : memref<1x128x8x360xf32, #tpu.memory_space<vmem>>, vector<1x128x1x360xf32>,
    %get3A_41 = arith.constant 1440 : index
    %get3A_42 = arith.constant 0 : index
    %get3A_43 = vector.load %arg2[%get3A_41, %get3A_42] : memref<2880x128xf32, #tpu.memory_space<vmem>>, vector<360x128xf32>
    %transpose3A_44 = tpu.transpose %get3A_43, [1, 0] : vector<360x128xf32> -> vector<128x360xf32>
    %swap3A_45 = arith.constant 0 : index
    %swap3A_46 = arith.constant 0 : index
    %swap3A_47 = arith.constant 4 : index
    %swap3A_48 = arith.constant 0 : index
    %swap3A_49 = vector.load %arg3[%swap3A_45, %swap3A_46, %swap3A_47, %swap3A_48] : memref<1x128x8x360xf32, #tpu.memory_space<vmem>>, vector<1x128x1x360xf32>
    %swap3A_50 = vector.shape_cast %swap3A_49 : vector<1x128x1x360xf32> to vector<128x360xf32>
    %swap3A_51 = vector.shape_cast %transpose3A_44 : vector<128x360xf32> to vector<1x128x1x360xf32>
    tpu.vector_store %arg3[%swap3A_45, %swap3A_46, %swap3A_47, %swap3A_48], %swap3A_51 {strides = array<i32>} : memref<1x128x8x360xf32, #tpu.memory_space<vmem>>, vector<1x128x1x360xf32>,
    %get3A_52 = arith.constant 1800 : index
    %get3A_53 = arith.constant 0 : index
    %get3A_54 = vector.load %arg2[%get3A_52, %get3A_53] : memref<2880x128xf32, #tpu.memory_space<vmem>>, vector<360x128xf32>
    %transpose3A_55 = tpu.transpose %get3A_54, [1, 0] : vector<360x128xf32> -> vector<128x360xf32>
    %swap3A_56 = arith.constant 0 : index
    %swap3A_57 = arith.constant 0 : index
    %swap3A_58 = arith.constant 5 : index
    %swap3A_59 = arith.constant 0 : index
    %swap3A_60 = vector.load %arg3[%swap3A_56, %swap3A_57, %swap3A_58, %swap3A_59] : memref<1x128x8x360xf32, #tpu.memory_space<vmem>>, vector<1x128x1x360xf32>
    %swap3A_61 = vector.shape_cast %swap3A_60 : vector<1x128x1x360xf32> to vector<128x360xf32>
    %swap3A_62 = vector.shape_cast %transpose3A_55 : vector<128x360xf32> to vector<1x128x1x360xf32>
    tpu.vector_store %arg3[%swap3A_56, %swap3A_57, %swap3A_58, %swap3A_59], %swap3A_62 {strides = array<i32>} : memref<1x128x8x360xf32, #tpu.memory_space<vmem>>, vector<1x128x1x360xf32>,
    %get3A_63 = arith.constant 2160 : index
    %get3A_64 = arith.constant 0 : index
    %get3A_65 = vector.load %arg2[%get3A_63, %get3A_64] : memref<2880x128xf32, #tpu.memory_space<vmem>>, vector<360x128xf32>
    %transpose3A_66 = tpu.transpose %get3A_65, [1, 0] : vector<360x128xf32> -> vector<128x360xf32>
    %swap3A_67 = arith.constant 0 : index
    %swap3A_68 = arith.constant 0 : index
    %swap3A_69 = arith.constant 6 : index
    %swap3A_70 = arith.constant 0 : index
    %swap3A_71 = vector.load %arg3[%swap3A_67, %swap3A_68, %swap3A_69, %swap3A_70] : memref<1x128x8x360xf32, #tpu.memory_space<vmem>>, vector<1x128x1x360xf32>
    %swap3A_72 = vector.shape_cast %swap3A_71 : vector<1x128x1x360xf32> to vector<128x360xf32>
    %swap3A_73 = vector.shape_cast %transpose3A_66 : vector<128x360xf32> to vector<1x128x1x360xf32>
    tpu.vector_store %arg3[%swap3A_67, %swap3A_68, %swap3A_69, %swap3A_70], %swap3A_73 {strides = array<i32>} : memref<1x128x8x360xf32, #tpu.memory_space<vmem>>, vector<1x128x1x360xf32>,
    %get3A_74 = arith.constant 2520 : index
    %get3A_75 = arith.constant 0 : index
    %get3A_76 = vector.load %arg2[%get3A_74, %get3A_75] : memref<2880x128xf32, #tpu.memory_space<vmem>>, vector<360x128xf32>
    %transpose3A_77 = tpu.transpose %get3A_76, [1, 0] : vector<360x128xf32> -> vector<128x360xf32>
    %swap3A_78 = arith.constant 0 : index
    %swap3A_79 = arith.constant 0 : index
    %swap3A_80 = arith.constant 7 : index
    %swap3A_81 = arith.constant 0 : index
    %swap3A_82 = vector.load %arg3[%swap3A_78, %swap3A_79, %swap3A_80, %swap3A_81] : memref<1x128x8x360xf32, #tpu.memory_space<vmem>>, vector<1x128x1x360xf32>
    %swap3A_83 = vector.shape_cast %swap3A_82 : vector<1x128x1x360xf32> to vector<128x360xf32>
    %swap3A_84 = vector.shape_cast %transpose3A_77 : vector<128x360xf32> to vector<1x128x1x360xf32>
    tpu.vector_store %arg3[%swap3A_78, %swap3A_79, %swap3A_80, %swap3A_81], %swap3A_84 {strides = array<i32>} : memref<1x128x8x360xf32, #tpu.memory_space<vmem>>, vector<1x128x1x360xf32>,
    return
  }
  func.func @transform_0(%arg0: i32, %arg1: i32) -> (i32, i32) {
    %mul3A = arith.constant 45 : i32
    %mul3A_0 = arith.muli %arg0, %mul3A : i32
    %add3A = arith.addi %mul3A_0, %arg1 : i32
    %c0_i32 = arith.constant 0 : i32
    %c0_i32_1 = arith.constant 0 : i32
    return %add3A, %c0_i32 : i32, i32
  }
  func.func @transform_1(%arg0: i32, %arg1: i32) -> (i32, i32, i32, i32) {
    %c0_i32 = arith.constant 0 : i32
    %c0_i32_0 = arith.constant 0 : i32
    %c0_i32_1 = arith.constant 0 : i32
    return %arg0, %c0_i32, %arg1, %c0_i32_0 : i32, i32, i32, i32
  }
}

</mosaic_0001>

<sc_bundles>
// kernel: kernel.10.cloned.1.call-start
scs
__scs_entry_jumppad:
0x0: {  	(pc) =	sbr.rel $0x88, $3  }
0x1: {  	(tag) =	ssettag $0x0;
	lr =	simm.s32 $0x1  }
0x2: {  	[smem:$0x3F96] =	sst lr;
	_ =	strace $0xD0000000  }
0x3: {  	_ = 	snop  }
0x4: {  	_ = 	snop  }
0x5: {  	_ = 	snop  }
0x6: {  	_ = 	snop  }
0x7: {  	_ = 	snop  }
__scs_overlays_trampoline_lowered:
0x8: {  	[smem:$0x3FA5] =	sst s0  }
0x9: {  	[smem:$0x3FA6] =	sst s1  }
0xa: {  	[smem:$0x3FA7] =	sst s2  }
0xb: {  	[smem:$0x3FA8] =	sst s3  }
0xc: {  	[smem:$0x3FA9] =	sst s4  }
0xd: {  	[smem:$0x3FAA] =	sst s5  }
0xe: {  	[smem:$0x3FAB] =	sst s6  }
0xf: {  	[smem:$0x3FAC] =	sst s7  }
0x10: {  	[smem:$0x3FAD] =	sst s8  }
0x11: {  	[smem:$0x3FAE] =	sst s9;
	s0 =	simm.s32 @!p0 $0x0  }
0x12: {  	s1 =	sld [smem:$0x3F94];
	s0 =	simm.s32 @p0 $0x1  }
0x13: {  	[smem:$0x3FAF] =	sst s0;
	s0 =	simm.s32 @!p1 $0x0  }
0x14: {  	s2 =	sld [smem:$0x3F93];
	s0 =	simm.s32 @p1 $0x1  }
0x15: {  	[smem:$0x3FB0] =	sst s0;
	s0 =	simm.s32 @!p2 $0x0  }
0x16: {  	s3 =	sld [smem:$0x3FDB];
	s0 =	simm.s32 @p2 $0x1  }
0x17: {  	s4 =	simm.s32 $0x1BF5;
	[smem:$0x3FB2] =	sst s0  }
0x18: {  	s0 =	sld [smem:$0x3F95];
	_ =	swait.ge [sflag:s4], $0x0  }
0x19: {  	s7 =	sld [smem:$0x3F96]  }
0x1a: {  	s8 =	sadd.s32 $0xFFFFE003, lr  }
0x1b: {  	s9 =	sadd.s32 $0xFFFFFEF7, lr;
	s5 =	simm.s32 $0xFFFFFFFF;
	p2 =	slt.u32 s8, $0xFFFFF086  }
0x1c: {  	p1 =	slt.u32 s9, $0xF7A;
	s5 =	simm.s32 @!p2 $0x0  }
0x1d: {  	s5 =	simm.s32 @p1 $0x1;
	p0 =	seq.s32 s7, s2  }
0x1e: {  	s7 =	smul.u32 @!p0 $0xF7A, s2;
	p2 =	seq.s32 @!p0 s5, $0x0  }
0x1f: {  	s9 =	smul.u32 $0xF7A, s1;
	s8 =	simm.s32 @!p0 $0x1BF5;
	p2 =	por !p2, p0  }
0x20: {  	[sflag:s8] =	ssyncset.s32 @!p0 $0xFFFFF086;
	s6 =	sadd.s32 @!p0 s3, s7;
	s7 =	simm.s32 @!p0 $0x108  }
0x21: {  	s3 =	sadd.s32 s3, s9;
	s6 =	sadd.s32 @!p0 $0x88, s6;
	s7 =	simm.s32 @p2 $0x1082  }
0x22: {  	[simem:s7], [sflag:s8] =	dma.local @!p0 [hbm:s6], $0xF7A  }
0x23: {  	s9 =	sor.u32 $0xD0000000, s2;
	s6 =	simm.s32 $0x108;
	_ =	swait.ge @!p0 [sflag:s8], $0x0  }
0x24: {  	s3 =	sadd.s32 $0x88, s3;
	s6 =	simm.s32 @!p1 $0x1082;
	[sflag:s4] =	ssyncset.s32 $0xFFFFF086  }
0x25: {  	[simem:s6], [sflag:s4] =	dma.local [hbm:s3], $0xF7A  }
0x26: {  	[smem:$0x3F96] =	sst s1;
	(tag) =	ssettag s2;
	_ =	strace s9  }
0x27: {  	s1 =	sld [smem:$0x3FA6]  }
0x28: {  	s2 =	sld [smem:$0x3FA7]  }
0x29: {  	s4 =	sld [smem:$0x3FA9]  }
0x2a: {  	p0 =	seq.s32 s5, $0x0;
	s5 =	sld [smem:$0x3FAA]  }
0x2b: {  	s6 =	sld [smem:$0x3FAB]  }
0x2c: {  	s7 =	sld [smem:$0x3FAC]  }
0x2d: {  	s3 =	simm.s32 $0x108;
	s8 =	sld [smem:$0x3FAD]  }
0x2e: {  	s3 =	simm.s32 @!p0 $0x1082;
	s9 =	sld [smem:$0x3FAE]  }
0x2f: {  	lr =	sadd.s32 s0, s3;
	s0 =	sld [smem:$0x3FA5]  }
0x30: {  	s3 =	sld [smem:$0x3FA8]  }
0x31: {  	[smem:$0x3FB1] =	sst s10  }
0x32: {  	s10 =	sld [smem:$0x3FAF];
	_ =	sdelay $0x3  }
0x33: {  	p0 =	seq.s32 s10, $0x1;
	s10 =	sld [smem:$0x3FB1];
	_ =	sdelay $0x3  }
0x34: {  	[smem:$0x3FB1] =	sst s10  }
0x35: {  	s10 =	sld [smem:$0x3FB0];
	_ =	sdelay $0x3  }
0x36: {  	p1 =	seq.s32 s10, $0x1;
	s10 =	sld [smem:$0x3FB1];
	_ =	sdelay $0x3  }
0x37: {  	[smem:$0x3FB1] =	sst s10  }
0x38: {  	s10 =	sld [smem:$0x3FB2]  }
0x39: {  	_ = 	snop;
	(pc) =	sbr.ind lr, $3  }
0x3a: {  	_ = 	snop  }
0x3b: {  	_ = 	snop  }
0x3c: {  	p2 =	seq.s32 s10, $0x1;
	s10 =	sld [smem:$0x3FB1]  }
0x3d: {  	_ =	shalt  }
0x3e: {  	_ =	shalt  }
0x3f: {  	_ =	shalt  }
0x40: {  	_ =	shalt  }
0x41: {  	_ =	shalt  }
0x42: {  	_ =	shalt  }
0x43: {  	_ =	shalt  }
0x44: {  	_ =	shalt  }
0x45: {  	_ =	shalt  }
0x46: {  	_ =	shalt  }
0x47: {  	_ =	shalt  }
0x48: {  	_ =	shalt  }
0x49: {  	_ =	shalt  }
0x4a: {  	_ =	shalt  }
0x4b: {  	_ =	shalt  }
0x4c: {  	_ =	shalt  }
0x4d: {  	_ =	shalt  }
0x4e: {  	_ =	shalt  }
0x4f: {  	_ =	shalt  }
0x50: {  	_ =	shalt  }
0x51: {  	_ =	shalt  }
0x52: {  	_ =	shalt  }
0x53: {  	_ =	shalt  }
0x54: {  	_ =	shalt  }
0x55: {  	_ =	shalt  }
0x56: {  	_ =	shalt  }
0x57: {  	_ =	shalt  }
0x58: {  	_ =	shalt  }
0x59: {  	_ =	shalt  }
0x5a: {  	_ =	shalt  }
0x5b: {  	_ =	shalt  }
0x5c: {  	_ =	shalt  }
0x5d: {  	_ =	shalt  }
0x5e: {  	_ =	shalt  }
0x5f: {  	_ =	shalt  }
0x60: {  	_ =	shalt  }
0x61: {  	_ =	shalt  }
0x62: {  	_ =	shalt  }
0x63: {  	_ =	shalt  }
0x64: {  	_ =	shalt  }
0x65: {  	_ =	shalt  }
0x66: {  	_ =	shalt  }
0x67: {  	_ =	shalt  }
0x68: {  	_ =	shalt  }
0x69: {  	_ =	shalt  }
0x6a: {  	_ =	shalt  }
0x6b: {  	_ =	shalt  }
0x6c: {  	_ =	shalt  }
0x6d: {  	_ =	shalt  }
0x6e: {  	_ =	shalt  }
0x6f: {  	_ =	shalt  }
0x70: {  	_ =	shalt  }
0x71: {  	_ =	shalt  }
0x72: {  	_ =	shalt  }
0x73: {  	_ =	shalt  }
0x74: {  	_ =	shalt  }
0x75: {  	_ =	shalt  }
0x76: {  	_ =	shalt  }
0x77: {  	_ =	shalt  }
0x78: {  	_ =	shalt  }
0x79: {  	_ =	shalt  }
0x7a: {  	_ =	shalt  }
0x7b: {  	_ =	shalt  }
0x7c: {  	_ =	shalt  }
0x7d: {  	_ =	shalt  }
0x7e: {  	_ =	shalt  }
0x7f: {  	_ =	shalt  }
0x80: {  	_ =	shalt  }
0x81: {  	_ =	shalt  }
0x82: {  	_ =	shalt  }
0x83: {  	_ =	shalt  }
0x84: {  	_ =	shalt  }
0x85: {  	_ =	shalt  }
0x86: {  	_ =	shalt  }
0x87: {  	_ =	shalt  }
.Lfunc_end0:
.L_simem_size_0:
called_computation.1_lowered:
.L_overlay_start_0:
0x88: {  	s2 =	sld [smem:$0x3FD9]  }
0x89: {  	s3 =	sld [smem:$0x3FFE];
	_ =	sdelay $0x1  }
0x8a: {  	s1 =	srdreg.scid  }
0x8b: {  	s0 =	sand.u32 $0x1, s1  }
0x8c: {  	s17 =	sshll.u32 s0, $0xA;
	s2 =	sadd.s32 s3, s2  }
0x8d: {  	s2 =	sadd.s32 s2, s17  }
0x8e: {  	[smem:$0x3FBD] =	sst s2  }
0x8f: {  	_ = 	snop  }
0x90: {  	s2 =	sld [smem:$0x3FD0];
	(tm) =	ssettm $0x1  }
0x91: {  	s18 =	sld [smem:$0x3FFB];
	_ =	sdelay $0x3  }
0x92: {  	_ =	strace s18  }
0x93: {  	s3 =	sld [smem:$0x3FFC];
	_ =	sdelay $0x3  }
0x94: {  	_ =	strace s3  }
0x95: {  	s3 =	sld [smem:$0x3FFD];
	_ =	sdelay $0x3  }
0x96: {  	_ =	strace s3  }
0x97: {  	_ =	strace $0x8FFFFFFF  }
0x98: {  	s19 =	sld [smem:$0x3FDB];
	_ =	sdelay $0x1  }
0x99: {  	s4 =	simm.s32 $_scs_section_size  }
0x9a: {  	s5 =	simm.s32 $_size__tile_overlayer_lowered;
	s6 =	simm.s32 $_tile_overlayer_lowered  }
0x9b: {  	s22 =	simm.s32 $0x1BFF;
	s21 =	sshll.u32 s6, $0x1;
	s3 =	sadd.s32 s4, s19  }
0x9c: {  	s7 =	simm.s32 $0x0;
	s20 =	sshll.u32 s5, $0x1;
	s5 =	sadd.s32 s21, s3  }
0x9d: {  	[timem:s7], [sflag:s22] =	dma.local [hbm:s5], s20  }
0x9e: {  	_ =	swait.ge [sflag:s22], s20  }
0x9f: {  	s4 =	ssub.s32 $0x0, s20;
	[sflag:s22] =	ssyncset.done $0x0  }
0xa0: {  	[sflag:s22] =	ssyncadd.s32 s4;
	_ =	sdelay $0x1  }
0xa1: {  	s23 =	simm.s32 $0x1B8B  }
0xa2: {  	_ =	swait.ge [sflag:s23], $0x1  }
0xa3: {  	[sflag:s23] =	ssyncset.done $0x0  }
0xa4: {  	s25 =	simm.s32 $0x1B8E;
	s24 =	sld [smem:$0x3FFE];
	[sflag:s23] =	ssyncadd.s32 $0xFFFFFFFF  }
0xa5: {  	s26 =	simm.s32 $execute0_lowered;
	[smem:$0x3FD2] =	sst s25  }
0xa6: {  	s5 =	sshll.u32 s26, $0x1;
	_ =	strace $0x80000049;
	[dreg:$0x1] =	wrdreg $0xFFFFFFFF  }
0xa7: {  	s28 =	simm.s32 $_size_execute0_lowered;
	s3 =	sadd.s32 s3, s5;
	[dreg:$0x0] =	wrdreg $0x0  }
0xa8: {  	s5 =	sshll.u32 s28, $0x1;
	[dreg:$0x2] =	wrdreg s3  }
0xa9: {  	[dreg:$0x3] =	wrdreg s5  }
0xaa: {  	[dreg:$0x4] =	wrdreg $0xC0  }
0xab: {  	_ =	task [dreg:s7], $0x5FFFF  }
0xac: {  	[dreg:$0x1] =	wrdreg $0xFFFFFFFF  }
0xad: {  	[dreg:$0x0] =	wrdreg $0x60  }
0xae: {  	[dreg:$0x2] =	wrdreg s24  }
0xaf: {  	[dreg:$0x3] =	wrdreg s2  }
0xb0: {  	[dreg:$0x4] =	wrdreg $0x9  }
0xb1: {  	_ =	task.clear_ibuf [dreg:s7], $0x5FFFF;
	_ =	strace $0x90000049  }
0xb2: {  	s29 =	simm.s32 $0x9;
	_ =	strace $0x8000004B  }
0xb3: {  	_ =	swait.ge [sflag:s29], $0x1  }
0xb4: {  	[sflag:s29] =	ssyncadd.s32 $0xFFFFFFFF  }
0xb5: {  	_ =	strace $0x9000004B  }
0xb6: {  	_ =	sfence  }
0xb7: {  	s30 =	sld [smem:$0x0];
	_ =	sdelay $0x2  }
0xb8: {  	s31 =	sshll.u32 s1, $0xD;
	s1 =	sshrl.u32 s1, $0x2  }
0xb9: {  	s3 =	sand.u32 $0x4000, s31;
	s1 =	sadd.s32 s1, s30  }
0xba: {  	s0 =	sor.u32 s3, s0;
	s1 =	sshll.u32 s1, $0x11  }
0xbb: {  	s0 =	sor.u32 s1, s0  }
0xbc: {  	s0 =	sadd.s32 $0x8F2B, s0  }
0xbd: {  	[sflag:s0] =	ssyncadd.remote.s32 $0x1  }
0xbe: {  	_ =	sfence.sel $0xFFFF  }
0xbf: {  	[dreg:$0x0] =	wrdreg $0xFFFFFFFF;
	(pc) =	sbr.abs _section_cstart, $3  }
0xc0: {  	[dreg:$0x1] =	wrdreg $0xFFFFFFFF  }
0xc1: {  	_ =	task.clear_ibuf [dreg:s7], $0x2FFFF;
	_ =	strace $0x9FFFFFFF  }
0xc2: {  	(tm) =	ssettm $0x7FFFFFFF  }
0xc3: {  	_ =	shalt  }
tec
execute0_lowered:
.L_overlay_start_1:
0x0: {  	(tag) =	ssettag $0x1  }
0x1: {  	s5 =	rddreg [dreg:$0x0]  }
0x2: {  	s1 =	rddreg [dreg:$0x1];
	s3 =	simm.s32 $0x0  }
0x3: {  	s4 =	srdreg.scid;
	s0 =	stileid.u32;
	s10 =	simm.s32 $0xEE80  }
0x4: {  	s11 =	simm.s32 $0x1;
	s12 =	simm.s32 $0x2;
	s15 =	simm.s32 $0x0  }
0x5: {  	[smem:$0x7FF] =	sst s3;
	s6 =	sand.u32 $0x1, s4;
	s2 =	sadd.s32 $0x1200, s5  }
0x6: {  	s7 =	sshll.u32 s0, $0x12;
	s9 =	sshll.u32 s0, $0x1;
	_ =	strace $0x8000004A  }
0x7: {  	[dreg:$0x3] =	wrdreg s2;
	s8 =	ssub.s32 $0x2, s6;
	s5 =	sadd.s32 s7, s5  }
0x8: {  	s31 =	sor.u32 s6, s9;
	s6 =	sshll.u32 s6, $0x11;
	s9 =	simm.s32 $0x6E80  }
0x9: {  	s30 =	sshrl.u32 s8, $0x1;
	s13 =	sshll.u32 s31, $0xD;
	s6 =	sadd.s32 s6, s5  }
0xa: {  	s7 =	ssub.s32 s8, s30;
	s8 =	sshll.u32 s31, $0x6;
	s6 =	sadd.s32 $0x1C00, s6  }
0xb: {  	v1 =	vmov s13;
	s13 =	simm.s32 $0x3;
	s14 =	sadd.s32 $0x4E20, s8;
	s5 =	smax.u32 s7, $0x1  }
0xc: {  	v2 =	vlaneseq.u32;
	s7 =	simm.s32 $0x5;
	s8 =	simm.s32 $0x100;
	v0 =	vmov s14;
	s14 =	simm.s32 $0x4  }
.LBB2_1:
0xd: {  	s0 =	rddreg [dreg:$0x3]  }
0xe: {  	[tilespmem:s3], [sflag:$0x5] =	stream.linear.gather [hbm4b:s0+s3], $0x4E80, $0x38;
	[tilespmem:$0x16E80] =	vst v63  }
0xf: {  	_ =	swait.ge [sflag:s7], $0x4E80  }
0x10: {  	[sflag:s7] =	ssyncset.done $0x0  }
0x11: {  	s16 =	simm.s32 $0x4E80;
	s17 =	simm.s32 $0x0;
	[sflag:s7] =	ssyncadd.s32 $0xFFFFB180  }
.LBB2_2:
0x12: {  	p0 =	sne.s32 s17, $0x1FF0  }
.Ltmp0:
0x13: {  	_ = 	snop;
	(pc) =	sbr.rel @p0 .LBB2_2-.Ltmp0, $4  }
0x14: {  	v3 =	vor.u32 s17, v2  }
0x15: {  	v3 =	vand.u32 $0x3F, v3  }
0x16: {  	v3 =	vadd.s32 v0, v3  }
0x17: {  	s17 =	sadd.s32 $0x10, s17;
	[tilespmem:s16+$0x0] =	vst v3;
	s16 =	sadd.s32 $0x10, s16  }
0x18: {  	s16 =	simm.s32 $0x0  }
0x19: {  	v3 =	vld [tilespmem:s16+$0x0];
	_ =	sdelay $0x4  }
0x1a: {  	v3 =	vsub.s32 v3, v1  }
0x1b: {  	(v2sf) =	vpush v3, $0x0;
	_ =	sdelay $0x6  }
0x1c: {  	(v2sf) =	vpush v3, $0x1;
	_ =	sdelay $0x6  }
0x1d: {  	(v2sf) =	vpush v3, $0x2  }
0x1e: {  	s17 =	spop (v2sf)  }
0x1f: {  	p0 =	sgt.u32 s17, $0x1FFF  }
0x20: {  	s18 =	sand.u32 @!p0 $0x1FF0, s17  }
0x21: {  	v4 =	vld @!p0 [tilespmem:s18+$0x4E80];
	_ =	sdelay $0x1  }
0x22: {  	s17 =	sand.u32 @!p0 $0xF, s17  }
0x23: {  	(v2sf) =	vpush v3, $0x3;
	v6 =	vlaneseq.u32 @!p0;
	v5 =	vmov @!p0 s17  }
0x24: {  	s19 =	simm.s32 $0x0;
	s17 =	spop (v2sf);
	vm0 =	veq.s32 @!p0 v5, v6  }
0x25: {  	p1 =	sgt.u32 s17, $0x1FFF;
	v4 =	vsel @!p0 vm0, s19, v4  }
0x26: {  	[tilespmem:s18+$0x4E80] =	vst @!p0 v4;
	s18 =	sand.u32 @!p1 $0x1FF0, s17  }
0x27: {  	v4 =	vld @!p1 [tilespmem:s18+$0x4E80];
	_ =	sdelay $0x1  }
0x28: {  	s17 =	sand.u32 @!p1 $0xF, s17  }
0x29: {  	(v2sf) =	vpush v3, $0x4;
	v6 =	vlaneseq.u32 @!p1;
	v5 =	vmov @!p1 s17  }
0x2a: {  	s19 =	simm.s32 @!p1 $0x1;
	s17 =	spop (v2sf);
	vm0 =	veq.s32 @!p1 v5, v6  }
0x2b: {  	p0 =	sgt.u32 s17, $0x1FFF;
	v4 =	vsel @!p1 vm0, s19, v4  }
0x2c: {  	[tilespmem:s18+$0x4E80] =	vst @!p1 v4;
	s18 =	sand.u32 @!p0 $0x1FF0, s17  }
0x2d: {  	v4 =	vld @!p0 [tilespmem:s18+$0x4E80];
	_ =	sdelay $0x1  }
0x2e: {  	s17 =	sand.u32 @!p0 $0xF, s17  }
0x2f: {  	(v2sf) =	vpush v3, $0x5;
	v6 =	vlaneseq.u32 @!p0;
	v5 =	vmov @!p0 s17  }
0x30: {  	s19 =	simm.s32 @!p0 $0x2;
	s17 =	spop (v2sf);
	vm0 =	veq.s32 @!p0 v5, v6  }
0x31: {  	p1 =	sgt.u32 s17, $0x1FFF;
	v4 =	vsel @!p0 vm0, s19, v4  }
0x32: {  	[tilespmem:s18+$0x4E80] =	vst @!p0 v4;
	s18 =	sand.u32 @!p1 $0x1FF0, s17  }
0x33: {  	v4 =	vld @!p1 [tilespmem:s18+$0x4E80];
	_ =	sdelay $0x1  }
0x34: {  	s17 =	sand.u32 @!p1 $0xF, s17  }
0x35: {  	(v2sf) =	vpush v3, $0x6;
	v6 =	vlaneseq.u32 @!p1;
	v5 =	vmov @!p1 s17  }
0x36: {  	s19 =	simm.s32 @!p1 $0x3;
	s17 =	spop (v2sf);
	vm0 =	veq.s32 @!p1 v5, v6  }
0x37: {  	p0 =	sgt.u32 s17, $0x1FFF;
	v4 =	vsel @!p1 vm0, s19, v4  }
0x38: {  	[tilespmem:s18+$0x4E80] =	vst @!p1 v4;
	s18 =	sand.u32 @!p0 $0x1FF0, s17  }
0x39: {  	v4 =	vld @!p0 [tilespmem:s18+$0x4E80];
	_ =	sdelay $0x1  }
0x3a: {  	s17 =	sand.u32 @!p0 $0xF, s17  }
0x3b: {  	(v2sf) =	vpush v3, $0x7;
	v6 =	vlaneseq.u32 @!p0;
	v5 =	vmov @!p0 s17  }
0x3c: {  	s19 =	simm.s32 @!p0 $0x4;
	s17 =	spop (v2sf);
	vm0 =	veq.s32 @!p0 v5, v6  }
0x3d: {  	p1 =	sgt.u32 s17, $0x1FFF;
	v4 =	vsel @!p0 vm0, s19, v4  }
0x3e: {  	[tilespmem:s18+$0x4E80] =	vst @!p0 v4;
	s18 =	sand.u32 @!p1 $0x1FF0, s17  }
0x3f: {  	v4 =	vld @!p1 [tilespmem:s18+$0x4E80];
	_ =	sdelay $0x1  }
0x40: {  	s17 =	sand.u32 @!p1 $0xF, s17  }
0x41: {  	(v2sf) =	vpush v3, $0x8;
	v6 =	vlaneseq.u32 @!p1;
	v5 =	vmov @!p1 s17  }
0x42: {  	s19 =	simm.s32 @!p1 $0x5;
	s17 =	spop (v2sf);
	vm0 =	veq.s32 @!p1 v5, v6  }
0x43: {  	p0 =	sgt.u32 s17, $0x1FFF;
	v4 =	vsel @!p1 vm0, s19, v4  }
0x44: {  	[tilespmem:s18+$0x4E80] =	vst @!p1 v4;
	s18 =	sand.u32 @!p0 $0x1FF0, s17  }
0x45: {  	v4 =	vld @!p0 [tilespmem:s18+$0x4E80];
	_ =	sdelay $0x1  }
0x46: {  	s17 =	sand.u32 @!p0 $0xF, s17  }
0x47: {  	(v2sf) =	vpush v3, $0x9;
	v6 =	vlaneseq.u32 @!p0;
	v5 =	vmov @!p0 s17  }
0x48: {  	s19 =	simm.s32 @!p0 $0x6;
	s17 =	spop (v2sf);
	vm0 =	veq.s32 @!p0 v5, v6  }
0x49: {  	p1 =	sgt.u32 s17, $0x1FFF;
	v4 =	vsel @!p0 vm0, s19, v4  }
0x4a: {  	[tilespmem:s18+$0x4E80] =	vst @!p0 v4;
	s18 =	sand.u32 @!p1 $0x1FF0, s17  }
0x4b: {  	v4 =	vld @!p1 [tilespmem:s18+$0x4E80];
	_ =	sdelay $0x1  }
0x4c: {  	s17 =	sand.u32 @!p1 $0xF, s17  }
0x4d: {  	(v2sf) =	vpush v3, $0xA;
	v6 =	vlaneseq.u32 @!p1;
	v5 =	vmov @!p1 s17  }
0x4e: {  	s19 =	simm.s32 @!p1 $0x7;
	s17 =	spop (v2sf);
	vm0 =	veq.s32 @!p1 v5, v6  }
0x4f: {  	p0 =	sgt.u32 s17, $0x1FFF;
	v4 =	vsel @!p1 vm0, s19, v4  }
0x50: {  	[tilespmem:s18+$0x4E80] =	vst @!p1 v4;
	s18 =	sand.u32 @!p0 $0x1FF0, s17  }
0x51: {  	v4 =	vld @!p0 [tilespmem:s18+$0x4E80];
	_ =	sdelay $0x1  }
0x52: {  	s17 =	sand.u32 @!p0 $0xF, s17  }
0x53: {  	(v2sf) =	vpush v3, $0xB;
	v6 =	vlaneseq.u32 @!p0;
	v5 =	vmov @!p0 s17  }
0x54: {  	s19 =	simm.s32 @!p0 $0x8;
	s17 =	spop (v2sf);
	vm0 =	veq.s32 @!p0 v5, v6  }
0x55: {  	p1 =	sgt.u32 s17, $0x1FFF;
	v4 =	vsel @!p0 vm0, s19, v4  }
0x56: {  	[tilespmem:s18+$0x4E80] =	vst @!p0 v4;
	s18 =	sand.u32 @!p1 $0x1FF0, s17  }
0x57: {  	v4 =	vld @!p1 [tilespmem:s18+$0x4E80];
	_ =	sdelay $0x1  }
0x58: {  	s17 =	sand.u32 @!p1 $0xF, s17  }
0x59: {  	(v2sf) =	vpush v3, $0xC;
	v6 =	vlaneseq.u32 @!p1;
	v5 =	vmov @!p1 s17  }
0x5a: {  	s19 =	simm.s32 @!p1 $0x9;
	s17 =	spop (v2sf);
	vm0 =	veq.s32 @!p1 v5, v6  }
0x5b: {  	p0 =	sgt.u32 s17, $0x1FFF;
	v4 =	vsel @!p1 vm0, s19, v4  }
0x5c: {  	[tilespmem:s18+$0x4E80] =	vst @!p1 v4;
	s18 =	sand.u32 @!p0 $0x1FF0, s17  }
0x5d: {  	v4 =	vld @!p0 [tilespmem:s18+$0x4E80];
	_ =	sdelay $0x1  }
0x5e: {  	s17 =	sand.u32 @!p0 $0xF, s17  }
0x5f: {  	(v2sf) =	vpush v3, $0xD;
	v6 =	vlaneseq.u32 @!p0;
	v5 =	vmov @!p0 s17  }
0x60: {  	s19 =	simm.s32 @!p0 $0xA;
	s17 =	spop (v2sf);
	vm0 =	veq.s32 @!p0 v5, v6  }
0x61: {  	p1 =	sgt.u32 s17, $0x1FFF;
	v4 =	vsel @!p0 vm0, s19, v4  }
0x62: {  	[tilespmem:s18+$0x4E80] =	vst @!p0 v4;
	s18 =	sand.u32 @!p1 $0x1FF0, s17  }
0x63: {  	v4 =	vld @!p1 [tilespmem:s18+$0x4E80];
	_ =	sdelay $0x1  }
0x64: {  	s17 =	sand.u32 @!p1 $0xF, s17  }
0x65: {  	(v2sf) =	vpush v3, $0xE;
	v6 =	vlaneseq.u32 @!p1;
	v5 =	vmov @!p1 s17  }
0x66: {  	s19 =	simm.s32 @!p1 $0xB;
	s17 =	spop (v2sf);
	vm0 =	veq.s32 @!p1 v5, v6  }
0x67: {  	p0 =	sgt.u32 s17, $0x1FFF;
	v4 =	vsel @!p1 vm0, s19, v4  }
0x68: {  	[tilespmem:s18+$0x4E80] =	vst @!p1 v4;
	s18 =	sand.u32 @!p0 $0x1FF0, s17  }
0x69: {  	v4 =	vld @!p0 [tilespmem:s18+$0x4E80];
	_ =	sdelay $0x1  }
0x6a: {  	s17 =	sand.u32 @!p0 $0xF, s17  }
0x6b: {  	(v2sf) =	vpush v3, $0xF;
	v5 =	vlaneseq.u32 @!p0;
	v3 =	vmov @!p0 s17  }
0x6c: {  	s19 =	simm.s32 @!p0 $0xC;
	s17 =	spop (v2sf);
	vm0 =	veq.s32 @!p0 v3, v5  }
0x6d: {  	p1 =	sgt.u32 s17, $0x1FFF;
	v3 =	vsel @!p0 vm0, s19, v4  }
0x6e: {  	[tilespmem:s18+$0x4E80] =	vst @!p0 v3;
	s18 =	sand.u32 @!p1 $0x1FF0, s17  }
0x6f: {  	v3 =	vld @!p1 [tilespmem:s18+$0x4E80];
	_ =	sdelay $0x1  }
0x70: {  	s17 =	sand.u32 @!p1 $0xF, s17  }
0x71: {  	v5 =	vlaneseq.u32 @!p1;
	v4 =	vmov @!p1 s17  }
0x72: {  	s19 =	simm.s32 @!p1 $0xD;
	s17 =	spop (v2sf);
	vm0 =	veq.s32 @!p1 v4, v5  }
0x73: {  	p0 =	sgt.u32 s17, $0x1FFF;
	v3 =	vsel @!p1 vm0, s19, v3  }
0x74: {  	[tilespmem:s18+$0x4E80] =	vst @!p1 v3;
	s18 =	sand.u32 @!p0 $0x1FF0, s17  }
0x75: {  	v3 =	vld @!p0 [tilespmem:s18+$0x4E80];
	_ =	sdelay $0x1  }
0x76: {  	s17 =	sand.u32 @!p0 $0xF, s17  }
0x77: {  	v5 =	vlaneseq.u32 @!p0;
	v4 =	vmov @!p0 s17  }
0x78: {  	s19 =	simm.s32 @!p0 $0xE;
	s17 =	spop (v2sf);
	vm0 =	veq.s32 @!p0 v4, v5  }
0x79: {  	p1 =	sgt.u32 s17, $0x1FFF;
	v3 =	vsel @!p0 vm0, s19, v3  }
0x7a: {  	s20 =	sand.u32 @!p1 $0x1FF0, s17;
	[tilespmem:s18+$0x4E80] =	vst @!p0 v3  }
0x7b: {  	v3 =	vld @!p1 [tilespmem:s20+$0x4E80];
	_ =	sdelay $0x1  }
0x7c: {  	s17 =	sand.u32 @!p1 $0xF, s17  }
0x7d: {  	v5 =	vlaneseq.u32 @!p1;
	v4 =	vmov @!p1 s17  }
0x7e: {  	vm0 =	veq.s32 @!p1 v4, v5;
	s18 =	simm.s32 $0xF  }
0x7f: {  	s17 =	simm.s32 $0x1F;
	v3 =	vsel @!p1 vm0, s18, v3  }
.LBB2_4:
0x80: {  	[tilespmem:s20+$0x4E80] =	vst @!p1 v3;
	s16 =	sadd.s32 $0x10, s16;
	s18 =	smov.u32 s17;
	s17 =	sadd.s32 $0x10, s17  }
0x81: {  	v3 =	vld [tilespmem:s16+$0x0];
	p0 =	sne.s32 s17, $0x4E2F;
	_ =	sdelay $0x4  }
0x82: {  	v3 =	vsub.s32 v3, v1  }
0x83: {  	(v2sf) =	vpush v3, $0x0  }
0x84: {  	(v2sf) =	vpush v3, $0x1  }
0x85: {  	(v2sf) =	vpush v3, $0x2  }
0x86: {  	(v2sf) =	vpush v3, $0x3  }
0x87: {  	(v2sf) =	vpush v3, $0x4  }
0x88: {  	(v2sf) =	vpush v3, $0x5  }
0x89: {  	(v2sf) =	vpush v3, $0x6  }
0x8a: {  	(v2sf) =	vpush v3, $0x7  }
0x8b: {  	(v2sf) =	vpush v3, $0x8  }
0x8c: {  	(v2sf) =	vpush v3, $0x9  }
0x8d: {  	(v2sf) =	vpush v3, $0xA  }
0x8e: {  	(v2sf) =	vpush v3, $0xB  }
0x8f: {  	(v2sf) =	vpush v3, $0xC  }
0x90: {  	(v2sf) =	vpush v3, $0xD  }
0x91: {  	(v2sf) =	vpush v3, $0xE  }
0x92: {  	s19 =	spop (v2sf);
	(v2sf) =	vpush v3, $0xF  }
0x93: {  	p2 =	sgt.u32 s19, $0x1FFF;
	s20 =	spop (v2sf)  }
0x94: {  	s21 =	sand.u32 @!p2 $0x1FF0, s19;
	s19 =	sand.u32 @!p2 $0xF, s19;
	s0 =	spop (v2sf)  }
0x95: {  	v5 =	vlaneseq.u32 @!p2;
	v3 =	vld @!p2 [tilespmem:s21+$0x4E80];
	v4 =	vmov @!p2 s19;
	s2 =	spop (v2sf)  }
0x96: {  	vm0 =	veq.s32 @!p2 v4, v5;
	s31 =	spop (v2sf)  }
0x97: {  	s30 =	spop (v2sf)  }
0x98: {  	s29 =	spop (v2sf)  }
0x99: {  	s19 =	sadd.s32 $0xFFFFFFF1, s18;
	s28 =	spop (v2sf)  }
0x9a: {  	p1 =	sgt.u32 s20, $0x1FFF;
	v3 =	vsel @!p2 vm0, s19, v3;
	s26 =	spop (v2sf)  }
0x9b: {  	s4 =	sand.u32 @!p1 $0x1FF0, s20;
	s19 =	sand.u32 @!p1 $0xF, s20;
	[tilespmem:s21+$0x4E80] =	vst @!p2 v3;
	s25 =	spop (v2sf)  }
0x9c: {  	v5 =	vlaneseq.u32 @!p1;
	v4 =	vmov @!p1 s19;
	v3 =	vld @!p1 [tilespmem:s4+$0x4E80];
	s24 =	spop (v2sf)  }
0x9d: {  	vm0 =	veq.s32 @!p1 v4, v5;
	s23 =	spop (v2sf)  }
0x9e: {  	s22 =	spop (v2sf)  }
0x9f: {  	s21 =	spop (v2sf)  }
0xa0: {  	s19 =	sadd.s32 @!p1 $0xFFFFFFF2, s18;
	s20 =	spop (v2sf)  }
0xa1: {  	p2 =	sgt.u32 s0, $0x1FFF;
	v3 =	vsel @!p1 vm0, s19, v3;
	s19 =	spop (v2sf)  }
0xa2: {  	[tilespmem:s4+$0x4E80] =	vst @!p1 v3;
	s4 =	sand.u32 @!p2 $0x1FF0, s0;
	s0 =	sand.u32 @!p2 $0xF, s0  }
0xa3: {  	v5 =	vlaneseq.u32 @!p2;
	v3 =	vld @!p2 [tilespmem:s4+$0x4E80];
	v4 =	vmov @!p2 s0  }
0xa4: {  	vm0 =	veq.s32 @!p2 v4, v5;
	_ =	sdelay $0x2  }
0xa5: {  	s0 =	sadd.s32 @!p2 $0xFFFFFFF3, s18  }
0xa6: {  	p1 =	sgt.u32 s2, $0x1FFF;
	v3 =	vsel @!p2 vm0, s0, v3  }
0xa7: {  	s0 =	sand.u32 @!p1 $0x1FF0, s2;
	s2 =	sand.u32 @!p1 $0xF, s2;
	[tilespmem:s4+$0x4E80] =	vst @!p2 v3  }
0xa8: {  	v5 =	vlaneseq.u32 @!p1;
	v4 =	vmov @!p1 s2;
	v3 =	vld @!p1 [tilespmem:s0+$0x4E80]  }
0xa9: {  	vm0 =	veq.s32 @!p1 v4, v5;
	_ =	sdelay $0x2  }
0xaa: {  	s2 =	sadd.s32 @!p1 $0xFFFFFFF4, s18  }
0xab: {  	p2 =	sgt.u32 s31, $0x1FFF;
	v3 =	vsel @!p1 vm0, s2, v3  }
0xac: {  	s2 =	sand.u32 @!p2 $0xF, s31;
	[tilespmem:s0+$0x4E80] =	vst @!p1 v3;
	s0 =	sand.u32 @!p2 $0x1FF0, s31  }
0xad: {  	v5 =	vlaneseq.u32 @!p2;
	v4 =	vmov @!p2 s2;
	v3 =	vld @!p2 [tilespmem:s0+$0x4E80]  }
0xae: {  	vm0 =	veq.s32 @!p2 v4, v5;
	_ =	sdelay $0x2  }
0xaf: {  	s2 =	sadd.s32 @!p2 $0xFFFFFFF5, s18  }
0xb0: {  	p1 =	sgt.u32 s30, $0x1FFF;
	v3 =	vsel @!p2 vm0, s2, v3  }
0xb1: {  	s2 =	sand.u32 @!p1 $0xF, s30;
	[tilespmem:s0+$0x4E80] =	vst @!p2 v3;
	s0 =	sand.u32 @!p1 $0x1FF0, s30  }
0xb2: {  	v5 =	vlaneseq.u32 @!p1;
	v4 =	vmov @!p1 s2;
	v3 =	vld @!p1 [tilespmem:s0+$0x4E80]  }
0xb3: {  	vm0 =	veq.s32 @!p1 v4, v5;
	_ =	sdelay $0x2  }
0xb4: {  	s2 =	sadd.s32 @!p1 $0xFFFFFFF6, s18  }
0xb5: {  	p2 =	sgt.u32 s29, $0x1FFF;
	v3 =	vsel @!p1 vm0, s2, v3  }
0xb6: {  	s2 =	sand.u32 @!p2 $0xF, s29;
	[tilespmem:s0+$0x4E80] =	vst @!p1 v3;
	s0 =	sand.u32 @!p2 $0x1FF0, s29  }
0xb7: {  	v5 =	vlaneseq.u32 @!p2;
	v4 =	vmov @!p2 s2;
	v3 =	vld @!p2 [tilespmem:s0+$0x4E80]  }
0xb8: {  	vm0 =	veq.s32 @!p2 v4, v5;
	_ =	sdelay $0x2  }
0xb9: {  	s2 =	sadd.s32 @!p2 $0xFFFFFFF7, s18  }
0xba: {  	p1 =	sgt.u32 s28, $0x1FFF;
	v3 =	vsel @!p2 vm0, s2, v3  }
0xbb: {  	s2 =	sand.u32 @!p1 $0xF, s28;
	[tilespmem:s0+$0x4E80] =	vst @!p2 v3;
	s0 =	sand.u32 @!p1 $0x1FF0, s28  }
0xbc: {  	v5 =	vlaneseq.u32 @!p1;
	v4 =	vmov @!p1 s2;
	v3 =	vld @!p1 [tilespmem:s0+$0x4E80]  }
0xbd: {  	vm0 =	veq.s32 @!p1 v4, v5;
	_ =	sdelay $0x2  }
0xbe: {  	s2 =	sadd.s32 @!p1 $0xFFFFFFF8, s18  }
0xbf: {  	p2 =	sgt.u32 s26, $0x1FFF;
	v3 =	vsel @!p1 vm0, s2, v3  }
0xc0: {  	s2 =	sand.u32 @!p2 $0xF, s26;
	[tilespmem:s0+$0x4E80] =	vst @!p1 v3;
	s0 =	sand.u32 @!p2 $0x1FF0, s26  }
0xc1: {  	v5 =	vlaneseq.u32 @!p2;
	v4 =	vmov @!p2 s2;
	v3 =	vld @!p2 [tilespmem:s0+$0x4E80]  }
0xc2: {  	vm0 =	veq.s32 @!p2 v4, v5;
	_ =	sdelay $0x2  }
0xc3: {  	s2 =	sadd.s32 @!p2 $0xFFFFFFF9, s18  }
0xc4: {  	p1 =	sgt.u32 s25, $0x1FFF;
	v3 =	vsel @!p2 vm0, s2, v3  }
0xc5: {  	s2 =	sand.u32 @!p1 $0xF, s25;
	[tilespmem:s0+$0x4E80] =	vst @!p2 v3;
	s0 =	sand.u32 @!p1 $0x1FF0, s25  }
0xc6: {  	v5 =	vlaneseq.u32 @!p1;
	v4 =	vmov @!p1 s2;
	v3 =	vld @!p1 [tilespmem:s0+$0x4E80]  }
0xc7: {  	vm0 =	veq.s32 @!p1 v4, v5;
	_ =	sdelay $0x2  }
0xc8: {  	s2 =	sadd.s32 @!p1 $0xFFFFFFFA, s18  }
0xc9: {  	p2 =	sgt.u32 s24, $0x1FFF;
	v3 =	vsel @!p1 vm0, s2, v3  }
0xca: {  	s2 =	sand.u32 @!p2 $0xF, s24;
	[tilespmem:s0+$0x4E80] =	vst @!p1 v3;
	s0 =	sand.u32 @!p2 $0x1FF0, s24  }
0xcb: {  	v5 =	vlaneseq.u32 @!p2;
	v4 =	vmov @!p2 s2;
	v3 =	vld @!p2 [tilespmem:s0+$0x4E80]  }
0xcc: {  	vm0 =	veq.s32 @!p2 v4, v5;
	_ =	sdelay $0x2  }
0xcd: {  	s2 =	sadd.s32 @!p2 $0xFFFFFFFB, s18  }
0xce: {  	p1 =	sgt.u32 s23, $0x1FFF;
	v3 =	vsel @!p2 vm0, s2, v3  }
0xcf: {  	s2 =	sand.u32 @!p1 $0xF, s23;
	[tilespmem:s0+$0x4E80] =	vst @!p2 v3;
	s0 =	sand.u32 @!p1 $0x1FF0, s23  }
0xd0: {  	v5 =	vlaneseq.u32 @!p1;
	v4 =	vmov @!p1 s2;
	v3 =	vld @!p1 [tilespmem:s0+$0x4E80]  }
0xd1: {  	vm0 =	veq.s32 @!p1 v4, v5;
	_ =	sdelay $0x2  }
0xd2: {  	s2 =	sadd.s32 @!p1 $0xFFFFFFFC, s18  }
0xd3: {  	p2 =	sgt.u32 s22, $0x1FFF;
	v3 =	vsel @!p1 vm0, s2, v3  }
0xd4: {  	s2 =	sand.u32 @!p2 $0xF, s22;
	[tilespmem:s0+$0x4E80] =	vst @!p1 v3;
	s0 =	sand.u32 @!p2 $0x1FF0, s22  }
0xd5: {  	v5 =	vlaneseq.u32 @!p2;
	v4 =	vmov @!p2 s2;
	v3 =	vld @!p2 [tilespmem:s0+$0x4E80]  }
0xd6: {  	vm0 =	veq.s32 @!p2 v4, v5;
	_ =	sdelay $0x2  }
0xd7: {  	s2 =	sadd.s32 @!p2 $0xFFFFFFFD, s18  }
0xd8: {  	p1 =	sgt.u32 s21, $0x1FFF;
	v3 =	vsel @!p2 vm0, s2, v3  }
0xd9: {  	s2 =	sand.u32 @!p1 $0xF, s21;
	[tilespmem:s0+$0x4E80] =	vst @!p2 v3;
	s0 =	sand.u32 @!p1 $0x1FF0, s21  }
0xda: {  	v5 =	vlaneseq.u32 @!p1;
	v4 =	vmov @!p1 s2;
	v3 =	vld @!p1 [tilespmem:s0+$0x4E80]  }
0xdb: {  	vm0 =	veq.s32 @!p1 v4, v5;
	_ =	sdelay $0x2  }
0xdc: {  	s2 =	sadd.s32 @!p1 $0xFFFFFFFE, s18  }
0xdd: {  	p2 =	sgt.u32 s20, $0x1FFF;
	v3 =	vsel @!p1 vm0, s2, v3  }
0xde: {  	s2 =	sand.u32 @!p2 $0xF, s20;
	[tilespmem:s0+$0x4E80] =	vst @!p1 v3;
	s0 =	sand.u32 @!p2 $0x1FF0, s20  }
0xdf: {  	v5 =	vlaneseq.u32 @!p2;
	v4 =	vmov @!p2 s2;
	v3 =	vld @!p2 [tilespmem:s0+$0x4E80]  }
0xe0: {  	vm0 =	veq.s32 @!p2 v4, v5;
	_ =	sdelay $0x2  }
0xe1: {  	s2 =	sadd.s32 @!p2 $0xFFFFFFFF, s18  }
0xe2: {  	p1 =	sgt.u32 s19, $0x1FFF;
	v3 =	vsel @!p2 vm0, s2, v3  }
0xe3: {  	s20 =	sand.u32 @!p1 $0x1FF0, s19;
	[tilespmem:s0+$0x4E80] =	vst @!p2 v3;
	s0 =	sand.u32 @!p1 $0xF, s19  }
0xe4: {  	v5 =	vlaneseq.u32 @!p1;
	v3 =	vld @!p1 [tilespmem:s20+$0x4E80];
	v4 =	vmov @!p1 s0  }
.Ltmp1:
0xe5: {  	vm0 =	veq.s32 @!p1 v4, v5;
	(pc) =	sbr.rel @p0 .LBB2_4-.Ltmp1, $2  }
0xe6: {  	_ =	sdelay $0x2  }
0xe7: {  	v3 =	vsel @!p1 vm0, s18, v3  }
0xe8: {  	[tilespmem:s20+$0x4E80] =	vst @!p1 v3;
	s0 =	simm.s32 $0x4E80  }
0xe9: {  	[tilespmem:s9], [sflag:$0x1] =	stream.indirect.gather [hbm4b:s1+s8], $0x80, s0, s8, $0xb8;
	[tilespmem:$0x16E80] =	vst v63  }
0xea: {  	s30 =	simm.s32 $0x4F80  }
0xeb: {  	[tilespmem:s10], [sflag:$0x2] =	stream.indirect.gather [hbm4b:s1+s8], $0x80, s30, s8, $0xb8;
	[tilespmem:$0x16E80] =	vst v63  }
0xec: {  	_ =	swait.ge [sflag:s11], $0x8000  }
0xed: {  	[sflag:s11] =	ssyncset.done $0x0  }
0xee: {  	[sflag:s11] =	ssyncadd.s32 $0xFFFF8000  }
0xef: {  	[hbm4b:s6+s3] =	stream.linear.scatter [tilespmem:s9], [sflag:$0x3], $0x8000, $0x38;
	[tilespmem:$0x16E80] =	vst v63  }
0xf0: {  	_ =	swait.ge [sflag:s12], $0x8000  }
0xf1: {  	[sflag:s12] =	ssyncset.done $0x0  }
0xf2: {  	s31 =	sadd.s32 $0x1000, s6;
	[sflag:s12] =	ssyncadd.s32 $0xFFFF8000  }
0xf3: {  	[hbm4b:s31+s3] =	stream.linear.scatter [tilespmem:s10], [sflag:$0x4], $0x8000, $0x38;
	[tilespmem:$0x16E80] =	vst v63  }
0xf4: {  	_ =	swait.ge [sflag:s13], $0x8000  }
0xf5: {  	[sflag:s13] =	ssyncset.done $0x0  }
0xf6: {  	[sflag:s13] =	ssyncadd.s32 $0xFFFF8000  }
0xf7: {  	s18 =	simm.s32 $0x1000;
	_ =	swait.ge [sflag:s14], $0x8000  }
0xf8: {  	s17 =	simm.s32 $0x200;
	s16 =	sadd.s32 $0x2000, s6;
	[sflag:s14] =	ssyncset.done $0x0  }
.LBB2_6:
0xf9: {  	s0 =	sadd.s32 $0x4E80, s17  }
0xfa: {  	[sflag:s14] =	ssyncadd.s32 $0xFFFF8000;
	s2 =	smov.u32 s18;
	s4 =	sadd.s32 $0x800, s18  }
0xfb: {  	[tilespmem:s9], [sflag:$0x1] =	stream.indirect.gather [hbm4b:s1+s8], $0x80, s0, s8, $0xb8;
	[tilespmem:$0x16E80] =	vst v63  }
0xfc: {  	p0 =	sne.s32 s18, $0x7800;
	s0 =	sadd.s32 $0x4F80, s17  }
0xfd: {  	[tilespmem:s10], [sflag:$0x2] =	stream.indirect.gather [hbm4b:s1+s8], $0x80, s0, s8, $0xb8;
	[tilespmem:$0x16E80] =	vst v63  }
0xfe: {  	_ =	swait.ge [sflag:s11], $0x8000  }
0xff: {  	[sflag:s11] =	ssyncset.done $0x0  }
0x100: {  	[sflag:s11] =	ssyncadd.s32 $0xFFFF8000  }
0x101: {  	[hbm4b:s16+s3] =	stream.linear.scatter [tilespmem:s9], [sflag:$0x3], $0x8000, $0x38;
	[tilespmem:$0x16E80] =	vst v63  }
0x102: {  	_ =	swait.ge [sflag:s12], $0x8000  }
0x103: {  	[sflag:s12] =	ssyncset.done $0x0  }
0x104: {  	s0 =	sadd.s32 $0x1000, s16;
	[sflag:s12] =	ssyncadd.s32 $0xFFFF8000  }
0x105: {  	[hbm4b:s0+s3] =	stream.linear.scatter [tilespmem:s10], [sflag:$0x4], $0x8000, $0x38;
	[tilespmem:$0x16E80] =	vst v63  }
.Ltmp2:
0x106: {  	_ =	swait.ge [sflag:s13], $0x8000;
	(pc) =	sbr.rel @p0 .LBB2_6-.Ltmp2, $4  }
0x107: {  	[sflag:s13] =	ssyncset.done $0x0  }
0x108: {  	[sflag:s13] =	ssyncadd.s32 $0xFFFF8000  }
0x109: {  	s17 =	sshra.s32 s2, $0x2;
	_ =	swait.ge [sflag:s14], $0x8000  }
0x10a: {  	s18 =	smov.u32 s4;
	s16 =	sadd.s32 $0x2000, s16;
	[sflag:s14] =	ssyncset.done $0x0  }
0x10b: {  	s0 =	sadd.s32 $0x4E80, s17;
	[sflag:s14] =	ssyncadd.s32 $0xFFFF8000  }
0x10c: {  	[tilespmem:s9], [sflag:$0x1] =	stream.indirect.gather [hbm4b:s1+s8], $0x80, s0, s8, $0xb8;
	[tilespmem:$0x16E80] =	vst v63  }
0x10d: {  	s30 =	sadd.s32 $0x4F80, s17  }
0x10e: {  	[tilespmem:s10], [sflag:$0x2] =	stream.indirect.gather [hbm4b:s1+s8], $0x80, s30, s8, $0xb8;
	[tilespmem:$0x16E80] =	vst v63  }
0x10f: {  	_ =	swait.ge [sflag:s11], $0x8000  }
0x110: {  	[sflag:s11] =	ssyncset.done $0x0  }
0x111: {  	[sflag:s11] =	ssyncadd.s32 $0xFFFF8000  }
0x112: {  	[hbm4b:s16+s3] =	stream.linear.scatter [tilespmem:s9], [sflag:$0x3], $0x8000, $0x38;
	[tilespmem:$0x16E80] =	vst v63  }
0x113: {  	_ =	swait.ge [sflag:s12], $0x8000  }
0x114: {  	[sflag:s12] =	ssyncset.done $0x0  }
0x115: {  	s31 =	sadd.s32 $0x1000, s16;
	s15 =	sadd.s32 $0x1, s15;
	[sflag:s12] =	ssyncadd.s32 $0xFFFF8000  }
0x116: {  	[hbm4b:s31+s3] =	stream.linear.scatter [tilespmem:s10], [sflag:$0x4], $0x8000, $0x38;
	[tilespmem:$0x16E80] =	vst v63  }
0x117: {  	p0 =	sne.s32 s15, s5;
	_ =	swait.ge [sflag:s13], $0x8000  }
.Ltmp3:
0x118: {  	[sflag:s13] =	ssyncset.done $0x0;
	(pc) =	sbr.rel @p0 .LBB2_1-.Ltmp3, $4  }
0x119: {  	[sflag:s13] =	ssyncadd.s32 $0xFFFF8000  }
0x11a: {  	_ =	swait.ge [sflag:s14], $0x8000  }
0x11b: {  	[sflag:s14] =	ssyncset.done $0x0  }
0x11c: {  	[sflag:s14] =	ssyncadd.s32 $0xFFFF8000  }
0x11d: {  	_ =	sfence.sel $0x180000  }
0x11e: {  	[bflag:$0x0] =	sbarrier.arrive $0xFFFF  }
0x11f: {  	_ =	strace $0x9000004A  }
0x120: {  	s0 =	stileid.u32;
	[bflag:$0x2] =	sbarrier.arrive $0xFFFF  }
0x121: {  	p0 =	sne.s32 s0, $0x0;
	s0 =	rddreg [dreg:$0x2]  }
0x122: {  	s0 =	sadd.s32 @!p0 $0x100000, s0  }
0x123: {  	[sflag:s0] =	ssyncadd.tile.s32 @!p0 $0x1;
	_ =	shalt  }
.Lfunc_end2:
_tile_overlayer_lowered:
.L_overlay_start_2:
0x124: {  	(tag) =	ssettag $0x2  }
0x125: {  	s0 =	rddreg [dreg:$0x0];
	s2 =	stileid.u32  }
0x126: {  	s1 =	rddreg [dreg:$0x1];
	p0 =	sne.s32 s2, $0x0  }
0x127: {  	s3 =	rddreg [dreg:$0x2];
	[bflag:$0x3] =	sbarrier.arrive $0xFFFF;
	s2 =	simm.s32 @!p0 $0x1C05  }
0x128: {  	[timem:s3], [sflag:s2] =	dma.local @!p0 [hbm:s0], s1  }
0x129: {  	s0 =	simm.s32 @!p0 $0x5  }
0x12a: {  	_ =	swait.ge @!p0 [sflag:s0], s1  }
0x12b: {  	s1 =	ssub.s32 @!p0 $0x0, s1;
	[sflag:s0] =	ssyncset.done @!p0 $0x0  }
0x12c: {  	[sflag:s0] =	ssyncadd.s32 @!p0 s1  }
0x12d: {  	[bflag:$0x3] =	sbarrier.arrive $0xFFFF  }
0x12e: {  	_ =	shalt  }

// kernel: kernel.7.cloned.1.call-start
scs
__scs_entry_jumppad:
0x0: {  	(pc) =	sbr.rel $0x88, $3  }
0x1: {  	(tag) =	ssettag $0x0;
	lr =	simm.s32 $0x1  }
0x2: {  	[smem:$0x3F96] =	sst lr;
	_ =	strace $0xD0000000  }
0x3: {  	_ = 	snop  }
0x4: {  	_ = 	snop  }
0x5: {  	_ = 	snop  }
0x6: {  	_ = 	snop  }
0x7: {  	_ = 	snop  }
__scs_overlays_trampoline_lowered:
0x8: {  	[smem:$0x3FA5] =	sst s0  }
0x9: {  	[smem:$0x3FA6] =	sst s1  }
0xa: {  	[smem:$0x3FA7] =	sst s2  }
0xb: {  	[smem:$0x3FA8] =	sst s3  }
0xc: {  	[smem:$0x3FA9] =	sst s4  }
0xd: {  	[smem:$0x3FAA] =	sst s5  }
0xe: {  	[smem:$0x3FAB] =	sst s6  }
0xf: {  	[smem:$0x3FAC] =	sst s7  }
0x10: {  	[smem:$0x3FAD] =	sst s8  }
0x11: {  	[smem:$0x3FAE] =	sst s9;
	s0 =	simm.s32 @!p0 $0x0  }
0x12: {  	s1 =	sld [smem:$0x3F94];
	s0 =	simm.s32 @p0 $0x1  }
0x13: {  	[smem:$0x3FAF] =	sst s0;
	s0 =	simm.s32 @!p1 $0x0  }
0x14: {  	s2 =	sld [smem:$0x3F93];
	s0 =	simm.s32 @p1 $0x1  }
0x15: {  	[smem:$0x3FB0] =	sst s0;
	s0 =	simm.s32 @!p2 $0x0  }
0x16: {  	s3 =	sld [smem:$0x3FDB];
	s0 =	simm.s32 @p2 $0x1  }
0x17: {  	s4 =	simm.s32 $0x1BF5;
	[smem:$0x3FB2] =	sst s0  }
0x18: {  	s0 =	sld [smem:$0x3F95];
	_ =	swait.ge [sflag:s4], $0x0  }
0x19: {  	s7 =	sld [smem:$0x3F96]  }
0x1a: {  	s8 =	sadd.s32 $0xFFFFE003, lr  }
0x1b: {  	s9 =	sadd.s32 $0xFFFFFEF7, lr;
	s5 =	simm.s32 $0xFFFFFFFF;
	p2 =	slt.u32 s8, $0xFFFFF086  }
0x1c: {  	p1 =	slt.u32 s9, $0xF7A;
	s5 =	simm.s32 @!p2 $0x0  }
0x1d: {  	s5 =	simm.s32 @p1 $0x1;
	p0 =	seq.s32 s7, s2  }
0x1e: {  	s7 =	smul.u32 @!p0 $0xF7A, s2;
	p2 =	seq.s32 @!p0 s5, $0x0  }
0x1f: {  	s9 =	smul.u32 $0xF7A, s1;
	s8 =	simm.s32 @!p0 $0x1BF5;
	p2 =	por !p2, p0  }
0x20: {  	[sflag:s8] =	ssyncset.s32 @!p0 $0xFFFFF086;
	s6 =	sadd.s32 @!p0 s3, s7;
	s7 =	simm.s32 @!p0 $0x108  }
0x21: {  	s3 =	sadd.s32 s3, s9;
	s6 =	sadd.s32 @!p0 $0x88, s6;
	s7 =	simm.s32 @p2 $0x1082  }
0x22: {  	[simem:s7], [sflag:s8] =	dma.local @!p0 [hbm:s6], $0xF7A  }
0x23: {  	s9 =	sor.u32 $0xD0000000, s2;
	s6 =	simm.s32 $0x108;
	_ =	swait.ge @!p0 [sflag:s8], $0x0  }
0x24: {  	s3 =	sadd.s32 $0x88, s3;
	s6 =	simm.s32 @!p1 $0x1082;
	[sflag:s4] =	ssyncset.s32 $0xFFFFF086  }
0x25: {  	[simem:s6], [sflag:s4] =	dma.local [hbm:s3], $0xF7A  }
0x26: {  	[smem:$0x3F96] =	sst s1;
	(tag) =	ssettag s2;
	_ =	strace s9  }
0x27: {  	s1 =	sld [smem:$0x3FA6]  }
0x28: {  	s2 =	sld [smem:$0x3FA7]  }
0x29: {  	s4 =	sld [smem:$0x3FA9]  }
0x2a: {  	p0 =	seq.s32 s5, $0x0;
	s5 =	sld [smem:$0x3FAA]  }
0x2b: {  	s6 =	sld [smem:$0x3FAB]  }
0x2c: {  	s7 =	sld [smem:$0x3FAC]  }
0x2d: {  	s3 =	simm.s32 $0x108;
	s8 =	sld [smem:$0x3FAD]  }
0x2e: {  	s3 =	simm.s32 @!p0 $0x1082;
	s9 =	sld [smem:$0x3FAE]  }
0x2f: {  	lr =	sadd.s32 s0, s3;
	s0 =	sld [smem:$0x3FA5]  }
0x30: {  	s3 =	sld [smem:$0x3FA8]  }
0x31: {  	[smem:$0x3FB1] =	sst s10  }
0x32: {  	s10 =	sld [smem:$0x3FAF];
	_ =	sdelay $0x3  }
0x33: {  	p0 =	seq.s32 s10, $0x1;
	s10 =	sld [smem:$0x3FB1];
	_ =	sdelay $0x3  }
0x34: {  	[smem:$0x3FB1] =	sst s10  }
0x35: {  	s10 =	sld [smem:$0x3FB0];
	_ =	sdelay $0x3  }
0x36: {  	p1 =	seq.s32 s10, $0x1;
	s10 =	sld [smem:$0x3FB1];
	_ =	sdelay $0x3  }
0x37: {  	[smem:$0x3FB1] =	sst s10  }
0x38: {  	s10 =	sld [smem:$0x3FB2]  }
0x39: {  	_ = 	snop;
	(pc) =	sbr.ind lr, $3  }
0x3a: {  	_ = 	snop  }
0x3b: {  	_ = 	snop  }
0x3c: {  	p2 =	seq.s32 s10, $0x1;
	s10 =	sld [smem:$0x3FB1]  }
0x3d: {  	_ =	shalt  }
0x3e: {  	_ =	shalt  }
0x3f: {  	_ =	shalt  }
0x40: {  	_ =	shalt  }
0x41: {  	_ =	shalt  }
0x42: {  	_ =	shalt  }
0x43: {  	_ =	shalt  }
0x44: {  	_ =	shalt  }
0x45: {  	_ =	shalt  }
0x46: {  	_ =	shalt  }
0x47: {  	_ =	shalt  }
0x48: {  	_ =	shalt  }
0x49: {  	_ =	shalt  }
0x4a: {  	_ =	shalt  }
0x4b: {  	_ =	shalt  }
0x4c: {  	_ =	shalt  }
0x4d: {  	_ =	shalt  }
0x4e: {  	_ =	shalt  }
0x4f: {  	_ =	shalt  }
0x50: {  	_ =	shalt  }
0x51: {  	_ =	shalt  }
0x52: {  	_ =	shalt  }
0x53: {  	_ =	shalt  }
0x54: {  	_ =	shalt  }
0x55: {  	_ =	shalt  }
0x56: {  	_ =	shalt  }
0x57: {  	_ =	shalt  }
0x58: {  	_ =	shalt  }
0x59: {  	_ =	shalt  }
0x5a: {  	_ =	shalt  }
0x5b: {  	_ =	shalt  }
0x5c: {  	_ =	shalt  }
0x5d: {  	_ =	shalt  }
0x5e: {  	_ =	shalt  }
0x5f: {  	_ =	shalt  }
0x60: {  	_ =	shalt  }
0x61: {  	_ =	shalt  }
0x62: {  	_ =	shalt  }
0x63: {  	_ =	shalt  }
0x64: {  	_ =	shalt  }
0x65: {  	_ =	shalt  }
0x66: {  	_ =	shalt  }
0x67: {  	_ =	shalt  }
0x68: {  	_ =	shalt  }
0x69: {  	_ =	shalt  }
0x6a: {  	_ =	shalt  }
0x6b: {  	_ =	shalt  }
0x6c: {  	_ =	shalt  }
0x6d: {  	_ =	shalt  }
0x6e: {  	_ =	shalt  }
0x6f: {  	_ =	shalt  }
0x70: {  	_ =	shalt  }
0x71: {  	_ =	shalt  }
0x72: {  	_ =	shalt  }
0x73: {  	_ =	shalt  }
0x74: {  	_ =	shalt  }
0x75: {  	_ =	shalt  }
0x76: {  	_ =	shalt  }
0x77: {  	_ =	shalt  }
0x78: {  	_ =	shalt  }
0x79: {  	_ =	shalt  }
0x7a: {  	_ =	shalt  }
0x7b: {  	_ =	shalt  }
0x7c: {  	_ =	shalt  }
0x7d: {  	_ =	shalt  }
0x7e: {  	_ =	shalt  }
0x7f: {  	_ =	shalt  }
0x80: {  	_ =	shalt  }
0x81: {  	_ =	shalt  }
0x82: {  	_ =	shalt  }
0x83: {  	_ =	shalt  }
0x84: {  	_ =	shalt  }
0x85: {  	_ =	shalt  }
0x86: {  	_ =	shalt  }
0x87: {  	_ =	shalt  }
.Lfunc_end0:
.L_simem_size_0:
called_computation_lowered:
.L_overlay_start_0:
0x88: {  	s2 =	sld [smem:$0x3FD9]  }
0x89: {  	s3 =	sld [smem:$0x3FFE];
	_ =	sdelay $0x1  }
0x8a: {  	s1 =	srdreg.scid  }
0x8b: {  	s0 =	sand.u32 $0x1, s1  }
0x8c: {  	s16 =	sshll.u32 s0, $0xA;
	s2 =	sadd.s32 s3, s2  }
0x8d: {  	s2 =	sadd.s32 s2, s16  }
0x8e: {  	[smem:$0x3FBD] =	sst s2  }
0x8f: {  	_ = 	snop  }
0x90: {  	(tm) =	ssettm $0x1  }
0x91: {  	s17 =	sld [smem:$0x3FFB];
	_ =	sdelay $0x3  }
0x92: {  	_ =	strace s17  }
0x93: {  	s2 =	sld [smem:$0x3FFC];
	_ =	sdelay $0x3  }
0x94: {  	_ =	strace s2  }
0x95: {  	s2 =	sld [smem:$0x3FFD];
	_ =	sdelay $0x3  }
0x96: {  	_ =	strace s2  }
0x97: {  	_ =	strace $0x8FFFFFFF  }
0x98: {  	s18 =	sld [smem:$0x3FDB];
	_ =	sdelay $0x1  }
0x99: {  	s19 =	simm.s32 $_scs_section_size  }
0x9a: {  	s4 =	simm.s32 $_size__tile_overlayer_lowered;
	s5 =	simm.s32 $_tile_overlayer_lowered  }
0x9b: {  	s22 =	simm.s32 $0x1BFF;
	s21 =	sshll.u32 s5, $0x1;
	s2 =	sadd.s32 s19, s18  }
0x9c: {  	s6 =	simm.s32 $0x0;
	s20 =	sshll.u32 s4, $0x1;
	s4 =	sadd.s32 s21, s2  }
0x9d: {  	[timem:s6], [sflag:s22] =	dma.local [hbm:s4], s20  }
0x9e: {  	_ =	swait.ge [sflag:s22], s20  }
0x9f: {  	s3 =	ssub.s32 $0x0, s20;
	[sflag:s22] =	ssyncset.done $0x0  }
0xa0: {  	[sflag:s22] =	ssyncadd.s32 s3;
	_ =	sdelay $0x1  }
0xa1: {  	s23 =	simm.s32 $0x1B8B  }
0xa2: {  	_ =	swait.ge [sflag:s23], $0x1  }
0xa3: {  	[sflag:s23] =	ssyncset.done $0x0  }
0xa4: {  	s25 =	simm.s32 $0x1B8E;
	s24 =	sld [smem:$0x3FFE];
	[sflag:s23] =	ssyncadd.s32 $0xFFFFFFFF  }
0xa5: {  	s26 =	simm.s32 $execute0_lowered;
	[smem:$0x3FD2] =	sst s25  }
0xa6: {  	s4 =	sshll.u32 s26, $0x1;
	_ =	strace $0x80000046;
	[dreg:$0x1] =	wrdreg $0xFFFFFFFF  }
0xa7: {  	s28 =	simm.s32 $_size_execute0_lowered;
	s2 =	sadd.s32 s2, s4;
	[dreg:$0x0] =	wrdreg $0x0  }
0xa8: {  	s4 =	sshll.u32 s28, $0x1;
	[dreg:$0x2] =	wrdreg s2  }
0xa9: {  	[dreg:$0x3] =	wrdreg s4  }
0xaa: {  	[dreg:$0x4] =	wrdreg $0xC0  }
0xab: {  	_ =	task [dreg:s6], $0x5FFFF  }
0xac: {  	[dreg:$0x1] =	wrdreg $0xFFFFFFFF  }
0xad: {  	[dreg:$0x0] =	wrdreg $0x60  }
0xae: {  	[dreg:$0x2] =	wrdreg s24  }
0xaf: {  	[dreg:$0x3] =	wrdreg $0x9  }
0xb0: {  	_ =	task.clear_ibuf [dreg:s6], $0x4FFFF;
	_ =	strace $0x90000046  }
0xb1: {  	s29 =	simm.s32 $0x9;
	_ =	strace $0x80000048  }
0xb2: {  	_ =	swait.ge [sflag:s29], $0x1  }
0xb3: {  	[sflag:s29] =	ssyncadd.s32 $0xFFFFFFFF  }
0xb4: {  	_ =	strace $0x90000048  }
0xb5: {  	_ =	sfence  }
0xb6: {  	s30 =	sld [smem:$0x0];
	_ =	sdelay $0x2  }
0xb7: {  	s31 =	sshll.u32 s1, $0xD;
	s1 =	sshrl.u32 s1, $0x2  }
0xb8: {  	s3 =	sand.u32 $0x4000, s31;
	s1 =	sadd.s32 s1, s30  }
0xb9: {  	s0 =	sor.u32 s3, s0;
	s1 =	sshll.u32 s1, $0x11  }
0xba: {  	s0 =	sor.u32 s1, s0  }
0xbb: {  	s0 =	sadd.s32 $0x8F2B, s0  }
0xbc: {  	[sflag:s0] =	ssyncadd.remote.s32 $0x1  }
0xbd: {  	_ =	sfence.sel $0xFFFF  }
0xbe: {  	[dreg:$0x0] =	wrdreg $0xFFFFFFFF;
	(pc) =	sbr.abs _section_cstart, $3  }
0xbf: {  	[dreg:$0x1] =	wrdreg $0xFFFFFFFF  }
0xc0: {  	_ =	task.clear_ibuf [dreg:s6], $0x2FFFF;
	_ =	strace $0x9FFFFFFF  }
0xc1: {  	(tm) =	ssettm $0x7FFFFFFF  }
tec
execute0_lowered:
.L_overlay_start_1:
0x0: {  	(tag) =	ssettag $0x1  }
0x1: {  	s1 =	srdreg.scid  }
0x2: {  	s0 =	stileid.u32;
	s5 =	rddreg [dreg:$0x0]  }
0x3: {  	s2 =	simm.s32 $0x0;
	s12 =	simm.s32 $0x1;
	s13 =	simm.s32 $0x2  }
0x4: {  	s14 =	simm.s32 $0x3;
	s15 =	simm.s32 $0x4;
	s16 =	simm.s32 $0x2580  }
0x5: {  	s4 =	sand.u32 $0x1, s1;
	s30 =	sshll.u32 s0, $0x1;
	s9 =	smul.u32 $0x4E200, s0  }
0x6: {  	s1 =	rddreg [dreg:$0x1];
	s6 =	sor.u32 s4, s30;
	s11 =	smul.u32 $0x27100, s4  }
0x7: {  	s17 =	simm.s32 $0x0;
	[smem:$0x7FF] =	sst s2;
	s3 =	smul.u32 $0x2710, s6  }
0x8: {  	_ =	strace $0x80000047;
	s8 =	ssub.s32 $0x2, s4;
	s6 =	smul.u32 $0x138800, s6  }
0x9: {  	s10 =	sshrl.u32 s8, $0x1;
	s7 =	sshrl.u32 s3, $0x3;
	s3 =	sadd.s32 $0x191A00, s5  }
0xa: {  	s6 =	sshrl.u32 s6, $0x3;
	s7 =	sadd.s32 s7, s5;
	s5 =	sadd.s32 $0x318400, s5  }
0xb: {  	s8 =	ssub.s32 s8, s10;
	s10 =	simm.s32 $0x2780;
	s6 =	sadd.s32 s5, s6  }
0xc: {  	s9 =	sadd.s32 s9, s5;
	s4 =	sadd.s32 $0x1200, s7;
	s5 =	sadd.s32 $0x25800, s6  }
0xd: {  	s31 =	sadd.s32 s11, s9;
	s6 =	smax.u32 s8, $0x1;
	s8 =	simm.s32 $0x5  }
0xe: {  	s9 =	simm.s32 $0x190;
	s11 =	simm.s32 $0xEF80;
	s7 =	sadd.s32 $0x1900, s31  }
.LBB2_1:
0xf: {  	[tilespmem:s2], [sflag:$0x5] =	stream.linear.gather [hbm4b:s4+s2], $0x2710, $0x38;
	[tilespmem:$0x1B780] =	vst v63  }
0x10: {  	_ =	swait.ge [sflag:s8], $0x2710  }
0x11: {  	[sflag:s8] =	ssyncset.done $0x0  }
0x12: {  	s18 =	simm.s32 $0x0;
	[sflag:s8] =	ssyncadd.s32 $0xFFFFD8F0  }
0x13: {  	[tilespmem:s10], [sflag:$0x1] =	stream.indirect.gather [hbm4b:s3+s9], $0x80, s18, s9, $0xb8;
	[tilespmem:$0x1B780] =	vst v63  }
0x14: {  	s30 =	simm.s32 $0x190  }
0x15: {  	[tilespmem:s11], [sflag:$0x2] =	stream.indirect.gather [hbm4b:s3+s9], $0x80, s30, s9, $0xb8;
	[tilespmem:$0x1B780] =	vst v63  }
0x16: {  	_ =	swait.ge [sflag:s12], $0xC800  }
0x17: {  	[sflag:s12] =	ssyncset.done $0x0  }
0x18: {  	s31 =	sadd.s32 $0xFFFFE700, s7;
	[sflag:s12] =	ssyncadd.s32 $0xFFFF3800  }
0x19: {  	[hbm4b:s31+s2] =	stream.linear.scatter [tilespmem:s10], [sflag:$0x3], $0xC800, $0x38;
	[tilespmem:$0x1B780] =	vst v63  }
0x1a: {  	_ =	swait.ge [sflag:s13], $0xC800  }
0x1b: {  	[sflag:s13] =	ssyncset.done $0x0  }
0x1c: {  	[sflag:s13] =	ssyncadd.s32 $0xFFFF3800  }
0x1d: {  	[hbm4b:s7+s2] =	stream.linear.scatter [tilespmem:s11], [sflag:$0x4], $0xC800, $0x38;
	[tilespmem:$0x1B780] =	vst v63  }
0x1e: {  	_ =	swait.ge [sflag:s14], $0xC800  }
0x1f: {  	[sflag:s14] =	ssyncset.done $0x0  }
0x20: {  	[sflag:s14] =	ssyncadd.s32 $0xFFFF3800  }
0x21: {  	s19 =	simm.s32 $0xC80;
	_ =	swait.ge [sflag:s15], $0xC800  }
0x22: {  	s20 =	simm.s32 $0x1900;
	s18 =	sadd.s32 $0x3200, s7;
	[sflag:s15] =	ssyncset.done $0x0  }
.LBB2_2:
0x23: {  	s21 =	sshra.s32 s19, $0x2  }
0x24: {  	[sflag:s15] =	ssyncadd.s32 $0xFFFF3800;
	s19 =	smov.u32 s20;
	s22 =	sadd.s32 $0xC80, s20  }
0x25: {  	[tilespmem:s10], [sflag:$0x1] =	stream.indirect.gather [hbm4b:s3+s9], $0x80, s21, s9, $0xb8;
	[tilespmem:$0x1B780] =	vst v63  }
0x26: {  	p0 =	sne.s32 s20, $0x8980;
	s20 =	sadd.s32 $0x190, s21  }
0x27: {  	[tilespmem:s11], [sflag:$0x2] =	stream.indirect.gather [hbm4b:s3+s9], $0x80, s20, s9, $0xb8;
	[tilespmem:$0x1B780] =	vst v63  }
0x28: {  	_ =	swait.ge [sflag:s12], $0xC800  }
0x29: {  	[sflag:s12] =	ssyncset.done $0x0  }
0x2a: {  	s20 =	sadd.s32 $0xFFFFE700, s18;
	[sflag:s12] =	ssyncadd.s32 $0xFFFF3800  }
0x2b: {  	[hbm4b:s20+s2] =	stream.linear.scatter [tilespmem:s10], [sflag:$0x3], $0xC800, $0x38;
	[tilespmem:$0x1B780] =	vst v63  }
0x2c: {  	_ =	swait.ge [sflag:s13], $0xC800  }
0x2d: {  	[sflag:s13] =	ssyncset.done $0x0  }
0x2e: {  	[sflag:s13] =	ssyncadd.s32 $0xFFFF3800  }
0x2f: {  	[hbm4b:s18+s2] =	stream.linear.scatter [tilespmem:s11], [sflag:$0x4], $0xC800, $0x38;
	[tilespmem:$0x1B780] =	vst v63  }
.Ltmp0:
0x30: {  	_ =	swait.ge [sflag:s14], $0xC800;
	(pc) =	sbr.rel @p0 .LBB2_2-.Ltmp0, $4  }
0x31: {  	[sflag:s14] =	ssyncset.done $0x0  }
0x32: {  	[sflag:s14] =	ssyncadd.s32 $0xFFFF3800  }
0x33: {  	_ =	swait.ge [sflag:s15], $0xC800  }
0x34: {  	s20 =	smov.u32 s22;
	s18 =	sadd.s32 $0x3200, s18;
	[sflag:s15] =	ssyncset.done $0x0  }
0x35: {  	s19 =	sshra.s32 s19, $0x2;
	[sflag:s15] =	ssyncadd.s32 $0xFFFF3800  }
0x36: {  	[tilespmem:s10], [sflag:$0x1] =	stream.indirect.gather [hbm4b:s3+s9], $0x80, s19, s9, $0xb8;
	[tilespmem:$0x1B780] =	vst v63  }
0x37: {  	s19 =	sadd.s32 $0x190, s19  }
0x38: {  	[tilespmem:s11], [sflag:$0x2] =	stream.indirect.gather [hbm4b:s3+s9], $0x80, s19, s9, $0xb8;
	[tilespmem:$0x1B780] =	vst v63  }
0x39: {  	_ =	swait.ge [sflag:s12], $0xC800  }
0x3a: {  	[sflag:s12] =	ssyncset.done $0x0  }
0x3b: {  	s31 =	sadd.s32 $0xFFFFE700, s18;
	[sflag:s12] =	ssyncadd.s32 $0xFFFF3800  }
0x3c: {  	[hbm4b:s31+s2] =	stream.linear.scatter [tilespmem:s10], [sflag:$0x3], $0xC800, $0x38;
	[tilespmem:$0x1B780] =	vst v63  }
0x3d: {  	_ =	swait.ge [sflag:s13], $0xC800  }
0x3e: {  	[sflag:s13] =	ssyncset.done $0x0  }
0x3f: {  	[sflag:s13] =	ssyncadd.s32 $0xFFFF3800  }
0x40: {  	[hbm4b:s18+s2] =	stream.linear.scatter [tilespmem:s11], [sflag:$0x4], $0xC800, $0x38;
	[tilespmem:$0x1B780] =	vst v63  }
0x41: {  	_ =	swait.ge [sflag:s14], $0xC800  }
0x42: {  	[sflag:s14] =	ssyncset.done $0x0  }
0x43: {  	[sflag:s14] =	ssyncadd.s32 $0xFFFF3800  }
0x44: {  	_ =	swait.ge [sflag:s15], $0xC800  }
0x45: {  	[sflag:s15] =	ssyncset.done $0x0  }
0x46: {  	[sflag:s15] =	ssyncadd.s32 $0xFFFF3800  }
0x47: {  	[tilespmem:s10], [sflag:$0x1] =	stream.indirect.gather [hbm4b:s3+s9], $0x80, s16, s9, $0xb8;
	[tilespmem:$0x1B780] =	vst v63  }
0x48: {  	s17 =	sadd.s32 $0x1, s17;
	_ =	swait.ge [sflag:s12], $0xC800  }
0x49: {  	p0 =	sne.s32 s17, s6;
	[sflag:s12] =	ssyncset.done $0x0  }
.Ltmp1:
0x4a: {  	[sflag:s12] =	ssyncadd.s32 $0xFFFF3800;
	(pc) =	sbr.rel @p0 .LBB2_1-.Ltmp1, $4  }
0x4b: {  	[hbm4b:s5+s2] =	stream.linear.scatter [tilespmem:s10], [sflag:$0x5], $0xC800, $0x38;
	[tilespmem:$0x1B780] =	vst v63  }
0x4c: {  	_ =	swait.ge [sflag:s8], $0xC800  }
0x4d: {  	[sflag:s8] =	ssyncset.done $0x0  }
0x4e: {  	[sflag:s8] =	ssyncadd.s32 $0xFFFF3800  }
0x4f: {  	_ =	sfence.sel $0x180000  }
0x50: {  	[bflag:$0x0] =	sbarrier.arrive $0xFFFF  }
0x51: {  	p0 =	sne.s32 s0, $0x0;
	_ =	strace $0x90000047  }
0x52: {  	s0 =	sadd.s32 @!p0 $0x100000, s1;
	[bflag:$0x2] =	sbarrier.arrive $0xFFFF  }
0x53: {  	[sflag:s0] =	ssyncadd.tile.s32 @!p0 $0x1;
	_ =	shalt  }
.Lfunc_end2:
_tile_overlayer_lowered:
.L_overlay_start_2:
0x54: {  	(tag) =	ssettag $0x2  }
0x55: {  	s0 =	rddreg [dreg:$0x0];
	s2 =	stileid.u32  }
0x56: {  	s1 =	rddreg [dreg:$0x1];
	p0 =	sne.s32 s2, $0x0  }
0x57: {  	s3 =	rddreg [dreg:$0x2];
	[bflag:$0x3] =	sbarrier.arrive $0xFFFF;
	s2 =	simm.s32 @!p0 $0x1C05  }
0x58: {  	[timem:s3], [sflag:s2] =	dma.local @!p0 [hbm:s0], s1  }
0x59: {  	s0 =	simm.s32 @!p0 $0x5  }
0x5a: {  	_ =	swait.ge @!p0 [sflag:s0], s1  }
0x5b: {  	s1 =	ssub.s32 @!p0 $0x0, s1;
	[sflag:s0] =	ssyncset.done @!p0 $0x0  }
0x5c: {  	[sflag:s0] =	ssyncadd.s32 @!p0 s1  }
0x5d: {  	[bflag:$0x3] =	sbarrier.arrive $0xFFFF  }
0x5e: {  	_ =	shalt  }

</sc_bundles>
